<compile_context>
chip_gen: v7x
topology: tpu7x:2x2x1
jax: 0.10.2.dev20260603
libtpu: 0.0.44.dev20260713+nightly
codegen_flags: <defaults>
</compile_context>

<pallas_src>
import functools

import jax
import jax.numpy as jnp
from jax import lax
from jax.experimental import pallas as pl
from jax.experimental.pallas import tpu as pltpu
from jax.experimental.pallas import tpu_sc as plsc

PAD = 0
LANES = 16


@functools.partial(jax.jit, static_argnames=("b_per_w", "chunk"))
def _emb_lookup(table, idx, *, b_per_w, chunk):
    vocab, dim = table.shape
    (batch,) = idx.shape
    n_chunks = b_per_w // chunk
    col_groups = dim // LANES

    mesh = plsc.VectorSubcoreMesh(core_axis_name="c", subcore_axis_name="s")

    @functools.partial(
        pl.kernel,
        mesh=mesh,
        out_type=jax.ShapeDtypeStruct((batch, dim), jnp.float32),
        scratch_types=[
            pltpu.VMEM((b_per_w,), jnp.int32),
            pltpu.VMEM((chunk, dim), jnp.float32),
            pltpu.SemaphoreType.DMA,
        ],
        compiler_params=pltpu.CompilerParams(needs_layout_passes=False),
    )
    def kern(table_hbm, idx_hbm, out_hbm, idx_v, rows_v, sem):
        num_cores = lax.axis_size("c")
        wid = lax.axis_index("s") * num_cores + lax.axis_index("c")
        base = wid * b_per_w
        pltpu.sync_copy(idx_hbm.at[pl.ds(base, b_per_w)], idx_v)

        def chunk_body(g, carry):
            off = g * chunk
            pltpu.async_copy(
                table_hbm.at[idx_v.at[pl.ds(off, chunk)]], rows_v, sem
            ).wait()
            for j in range(chunk // LANES):
                v = idx_v[pl.ds(off + j * LANES, LANES)]
                nz = plsc.all_reduce_population_count(v == PAD)[0]

                @pl.when(nz > 0)
                def _fix(v=v, j=j):
                    for r in range(LANES):

                        @pl.when(v[r] == PAD)
                        def _zero_row(r=r):
                            def col_body(cc, c2):
                                rows_v[
                                    j * LANES + r, pl.ds(cc * LANES, LANES)
                                ] = jnp.zeros((LANES,), jnp.float32)
                                return c2

                            lax.fori_loop(0, col_groups, col_body, 0)

            pltpu.sync_copy(rows_v, out_hbm.at[pl.ds(base + off, chunk)])
            return carry

        lax.fori_loop(0, n_chunks, chunk_body, 0)

    return kern(table, idx)


def kernel(sentence, table):
    n_sent, n_tok = sentence.shape
    idx = sentence.reshape(-1)
    out = _emb_lookup(table, idx, b_per_w=(n_sent * n_tok) // 32, chunk=64)
    return out.reshape(n_sent, n_tok, table.shape[1])

# --- scband reference (transcript-rebuilt; emitter-appended) ---
"""Pipeline reference for scband-embedding-layer-81990925681025 (READ-ONLY COPY).

The authoritative reference and input builder live on the scoring server;
editing this copy changes nothing except your own understanding.
"""

import jax, jax.numpy as jnp
import numpy as np

VOCAB = 100000
DIM = 768
PAD = 0

def setup_inputs(seed: int = 0) -> dict:
    key = jax.random.key(seed)
    k1, k2 = jax.random.split(key)
    sentence = jax.random.randint(k1, (1024, 200), 0, VOCAB, dtype=jnp.int32)
    # learned embedding table (nn.Embedding weight); padding row conceptually zero
    table = jax.random.normal(k2, (VOCAB, DIM), dtype=jnp.float32) * 0.02
    return {"sentence": sentence, "table": table}

def reference(sentence, table):
    # nn.Embedding with padding_idx=PAD: padding row is zero
    tbl = table.at[PAD].set(0.0)
    embed = jnp.take(tbl, sentence, axis=0)
    # nn.Dropout in eval mode is identity (deterministic reference)
    return embed

if __name__ == "__main__":
    import jax
    _d = setup_inputs()
    print(jax.jit(kernel)(*tuple(_d.values())))

</pallas_src>

<mosaic_0001>
#map = affine_map<(d0, d1) -> (0, 0)>
#map1 = affine_map<(d0, d1) -> (0)>
module attributes {stable_mosaic.version = 14 : i64} {
  func.func @kern(%arg0: i32, %arg1: i32, %arg2: memref<100000x768xf32, #tpu.memory_space<hbm>>, %arg3: memref<204800xi32, #tpu.memory_space<hbm>>, %arg4: memref<204800x768xf32, #tpu.memory_space<hbm>>, %arg5: memref<6400xi32, #tpu.memory_space<vmem>>, %arg6: memref<64x768xf32, #tpu.memory_space<vmem>>, %arg7: memref<!tpu.dma_semaphore, #tpu.memory_space<semaphore_mem>>) attributes {dimension_semantics = [#tpu.dimension_semantics<core_parallel>, #tpu.dimension_semantics<subcore_parallel>], iteration_bounds = array<i64: 2, 16>, scalar_prefetch = 0 : i64, scratch_operands = 3 : i64, tpu.core_type = #tpu.core_type<sc_vector_subcore>, window_params = [{transform_indices = #map}, {transform_indices = #map1}, {transform_indices = #map}]} {
    %mul3A = arith.constant 2 : i32
    %mul3A_0 = arith.muli %arg1, %mul3A : i32
    %add3A = arith.addi %mul3A_0, %arg0 : i32
    %mul3A_1 = arith.constant 6400 : i32
    %mul3A_2 = arith.muli %add3A, %mul3A_1 : i32
    "tpu.region"() ({
      %run_scoped3A = tpu.sem_alloc : memref<!tpu.dma_semaphore, #tpu.memory_space<semaphore_mem>>
      %dma_start3A = tpu.memref_slice %arg3[%mul3A_2] : memref<204800xi32, #tpu.memory_space<hbm>> -> memref<6400xi32, #tpu.memory_space<hbm>>
      %dma_start3A_8 = tpu.memref_slice %arg3[%mul3A_2] : memref<204800xi32, #tpu.memory_space<hbm>> -> memref<6400xi32, #tpu.memory_space<hbm>>
      tpu.enqueue_dma source(%dma_start3A_8 : memref<6400xi32, #tpu.memory_space<hbm>>) target(%arg5 : memref<6400xi32, #tpu.memory_space<vmem>>) target_semaphore(%run_scoped3A : memref<!tpu.dma_semaphore, #tpu.memory_space<semaphore_mem>>)
      %dma_wait3A = tpu.memref_slice %arg3[%mul3A_2] : memref<204800xi32, #tpu.memory_space<hbm>> -> memref<6400xi32, #tpu.memory_space<hbm>>
      %dma_wait3A_9 = tpu.memref_slice %arg3[%mul3A_2] : memref<204800xi32, #tpu.memory_space<hbm>> -> memref<6400xi32, #tpu.memory_space<hbm>>
      tpu.wait_dma2 semaphore(%run_scoped3A : memref<!tpu.dma_semaphore, #tpu.memory_space<semaphore_mem>>) src(%dma_wait3A_9 : memref<6400xi32, #tpu.memory_space<hbm>>) dst(%arg5 : memref<6400xi32, #tpu.memory_space<vmem>>)
      tpu.yield
    }) : () -> ()
    %scan3A = arith.constant 0 : i32
    %scan3A_3 = arith.constant 0 : i32
    %scan3A_4 = arith.constant 100 : i32
    %scan3A_5 = arith.addi %scan3A_3, %scan3A_4 : i32
    %scan3A_6 = arith.constant 1 : i32
    scf.for %scan3A_8 = %scan3A_3 to %scan3A_5 step %scan3A_6  : i32 {
      %mul3A_9 = arith.constant 64 : i32
      %mul3A_10 = arith.muli %scan3A_8, %mul3A_9 : i32
      %dma_start3A = tpu.memref_slice %arg5[%mul3A_10] : memref<6400xi32, #tpu.memory_space<vmem>> -> memref<64xi32, #tpu.memory_space<vmem>>
      %dma_start3A_11 = arith.constant 0 : i32
      %dma_start3A_12 = arith.constant 0 : i32
      %dma_start3A_13 = tpu.memref_slice %arg2[%dma_start3A_11, %dma_start3A_12] : memref<100000x768xf32, #tpu.memory_space<hbm>> -> memref<100000x768xf32, #tpu.memory_space<hbm>>
      tpu.enqueue_indirect_dma source(%dma_start3A_13 : memref<100000x768xf32, #tpu.memory_space<hbm>>) target(%arg6 : memref<64x768xf32, #tpu.memory_space<vmem>>) offsets(%dma_start3A : memref<64xi32, #tpu.memory_space<vmem>>) semaphore(%arg7 : memref<!tpu.dma_semaphore, #tpu.memory_space<semaphore_mem>>)
      %dma_wait3A = tpu.memref_slice %arg5[%mul3A_10] : memref<6400xi32, #tpu.memory_space<vmem>> -> memref<64xi32, #tpu.memory_space<vmem>>
      %dma_wait3A_14 = arith.constant 0 : i32
      %dma_wait3A_15 = arith.constant 0 : i32
      %dma_wait3A_16 = tpu.memref_slice %arg2[%dma_wait3A_14, %dma_wait3A_15] : memref<100000x768xf32, #tpu.memory_space<hbm>> -> memref<100000x768xf32, #tpu.memory_space<hbm>>
      tpu.wait_indirect_dma semaphore(%arg7 : memref<!tpu.dma_semaphore, #tpu.memory_space<semaphore_mem>>) src(%dma_wait3A_16 : memref<100000x768xf32, #tpu.memory_space<hbm>>) dst(%arg6 : memref<64x768xf32, #tpu.memory_space<vmem>>)
      %add3A_17 = arith.constant 0 : i32
      %add3A_18 = arith.addi %mul3A_10, %add3A_17 : i32
      %get3A = arith.index_cast %add3A_18 : i32 to index
      %get3A_19 = tpu.vector_load %arg5[%get3A] {strides = array<i32>} : memref<6400xi32, #tpu.memory_space<vmem>>, vector<16xi32>,
      %eq3A = arith.constant 0 : i32
      %eq3A_20 = vector.broadcast %eq3A : i32 to vector<16xi32>
      %eq3A_21 = arith.cmpi eq, %get3A_19, %eq3A_20 : vector<16xi32>
      %all_reduce_population_count3A = tpu.all_reduce %eq3A_21 {dim = 0 : i64, kind = #tpu.reduction_kind<sum>} : vector<16xi1> -> vector<16xi32>
      %slice3A = vector.extract_strided_slice %all_reduce_population_count3A {offsets = [0], sizes = [1], strides = [1]} : vector<16xi32> to vector<1xi32>
      %squeeze3A = vector.extract %slice3A[0] : i32 from vector<1xi32>
      %gt3A = arith.constant 0 : i32
      %gt3A_22 = arith.cmpi sgt, %squeeze3A, %gt3A : i32
      %convert_element_type3A = arith.extui %gt3A_22 : i1 to i32
      %cond3A = arith.constant 0 : i32
      %cond3A_23 = arith.cmpi ne, %convert_element_type3A, %cond3A : i32
      scf.if %cond3A_23 {
        %slice3A_70 = vector.extract_strided_slice %get3A_19 {offsets = [0], sizes = [1], strides = [1]} : vector<16xi32> to vector<1xi32>
        %squeeze3A_71 = vector.extract %slice3A_70[0] : i32 from vector<1xi32>
        %eq3A_72 = arith.constant 0 : i32
        %eq3A_73 = arith.cmpi eq, %squeeze3A_71, %eq3A_72 : i32
        %convert_element_type3A_74 = arith.extui %eq3A_73 : i1 to i32
        %cond3A_75 = arith.constant 0 : i32
        %cond3A_76 = arith.cmpi ne, %convert_element_type3A_74, %cond3A_75 : i32
        scf.if %cond3A_76 {
          %scan3A_182 = arith.constant 0 : i32
          %scan3A_183 = arith.constant 0 : i32
          %scan3A_184 = arith.constant 48 : i32
          %scan3A_185 = arith.addi %scan3A_183, %scan3A_184 : i32
          %scan3A_186 = arith.constant 1 : i32
          scf.for %scan3A_188 = %scan3A_183 to %scan3A_185 step %scan3A_186  : i32 {
            %broadcast_in_dim3A = arith.constant 0.000000e+00 : f32
            %broadcast_in_dim3A_189 = vector.broadcast %broadcast_in_dim3A : f32 to vector<16xf32>
            %mul3A_190 = arith.constant 16 : i32
            %mul3A_191 = arith.muli %scan3A_188, %mul3A_190 : i32
            %swap3A = arith.constant 0 : i32
            %swap3A_192 = arith.index_cast %swap3A : i32 to index
            %swap3A_193 = arith.index_cast %mul3A_191 : i32 to index
            %swap3A_194 = tpu.vector_load %arg6[%swap3A_192, %swap3A_193] {strides = array<i32>} : memref<64x768xf32, #tpu.memory_space<vmem>>, vector<16xf32>,
            tpu.vector_store %arg6[%swap3A_192, %swap3A_193], %broadcast_in_dim3A_189 {strides = array<i32>} : memref<64x768xf32, #tpu.memory_space<vmem>>, vector<16xf32>,
          }
          %scan3A_187 = arith.constant 48 : i32
        } else {
        }
        %slice3A_77 = vector.extract_strided_slice %get3A_19 {offsets = [1], sizes = [1], strides = [1]} : vector<16xi32> to vector<1xi32>
        %squeeze3A_78 = vector.extract %slice3A_77[0] : i32 from vector<1xi32>
        %eq3A_79 = arith.constant 0 : i32
        %eq3A_80 = arith.cmpi eq, %squeeze3A_78, %eq3A_79 : i32
        %convert_element_type3A_81 = arith.extui %eq3A_80 : i1 to i32
        %cond3A_82 = arith.constant 0 : i32
        %cond3A_83 = arith.cmpi ne, %convert_element_type3A_81, %cond3A_82 : i32
        scf.if %cond3A_83 {
          %scan3A_182 = arith.constant 0 : i32
          %scan3A_183 = arith.constant 0 : i32
          %scan3A_184 = arith.constant 48 : i32
          %scan3A_185 = arith.addi %scan3A_183, %scan3A_184 : i32
          %scan3A_186 = arith.constant 1 : i32
          scf.for %scan3A_188 = %scan3A_183 to %scan3A_185 step %scan3A_186  : i32 {
            %broadcast_in_dim3A = arith.constant 0.000000e+00 : f32
            %broadcast_in_dim3A_189 = vector.broadcast %broadcast_in_dim3A : f32 to vector<16xf32>
            %mul3A_190 = arith.constant 16 : i32
            %mul3A_191 = arith.muli %scan3A_188, %mul3A_190 : i32
            %swap3A = arith.constant 1 : i32
            %swap3A_192 = arith.index_cast %swap3A : i32 to index
            %swap3A_193 = arith.index_cast %mul3A_191 : i32 to index
            %swap3A_194 = tpu.vector_load %arg6[%swap3A_192, %swap3A_193] {strides = array<i32>} : memref<64x768xf32, #tpu.memory_space<vmem>>, vector<16xf32>,
            tpu.vector_store %arg6[%swap3A_192, %swap3A_193], %broadcast_in_dim3A_189 {strides = array<i32>} : memref<64x768xf32, #tpu.memory_space<vmem>>, vector<16xf32>,
          }
          %scan3A_187 = arith.constant 48 : i32
        } else {
        }
        %slice3A_84 = vector.extract_strided_slice %get3A_19 {offsets = [2], sizes = [1], strides = [1]} : vector<16xi32> to vector<1xi32>
        %squeeze3A_85 = vector.extract %slice3A_84[0] : i32 from vector<1xi32>
        %eq3A_86 = arith.constant 0 : i32
        %eq3A_87 = arith.cmpi eq, %squeeze3A_85, %eq3A_86 : i32
        %convert_element_type3A_88 = arith.extui %eq3A_87 : i1 to i32
        %cond3A_89 = arith.constant 0 : i32
        %cond3A_90 = arith.cmpi ne, %convert_element_type3A_88, %cond3A_89 : i32
        scf.if %cond3A_90 {
          %scan3A_182 = arith.constant 0 : i32
          %scan3A_183 = arith.constant 0 : i32
          %scan3A_184 = arith.constant 48 : i32
          %scan3A_185 = arith.addi %scan3A_183, %scan3A_184 : i32
          %scan3A_186 = arith.constant 1 : i32
          scf.for %scan3A_188 = %scan3A_183 to %scan3A_185 step %scan3A_186  : i32 {
            %broadcast_in_dim3A = arith.constant 0.000000e+00 : f32
            %broadcast_in_dim3A_189 = vector.broadcast %broadcast_in_dim3A : f32 to vector<16xf32>
            %mul3A_190 = arith.constant 16 : i32
            %mul3A_191 = arith.muli %scan3A_188, %mul3A_190 : i32
            %swap3A = arith.constant 2 : i32
            %swap3A_192 = arith.index_cast %swap3A : i32 to index
            %swap3A_193 = arith.index_cast %mul3A_191 : i32 to index
            %swap3A_194 = tpu.vector_load %arg6[%swap3A_192, %swap3A_193] {strides = array<i32>} : memref<64x768xf32, #tpu.memory_space<vmem>>, vector<16xf32>,
            tpu.vector_store %arg6[%swap3A_192, %swap3A_193], %broadcast_in_dim3A_189 {strides = array<i32>} : memref<64x768xf32, #tpu.memory_space<vmem>>, vector<16xf32>,
          }
          %scan3A_187 = arith.constant 48 : i32
        } else {
        }
        %slice3A_91 = vector.extract_strided_slice %get3A_19 {offsets = [3], sizes = [1], strides = [1]} : vector<16xi32> to vector<1xi32>
        %squeeze3A_92 = vector.extract %slice3A_91[0] : i32 from vector<1xi32>
        %eq3A_93 = arith.constant 0 : i32
        %eq3A_94 = arith.cmpi eq, %squeeze3A_92, %eq3A_93 : i32
        %convert_element_type3A_95 = arith.extui %eq3A_94 : i1 to i32
        %cond3A_96 = arith.constant 0 : i32
        %cond3A_97 = arith.cmpi ne, %convert_element_type3A_95, %cond3A_96 : i32
        scf.if %cond3A_97 {
          %scan3A_182 = arith.constant 0 : i32
          %scan3A_183 = arith.constant 0 : i32
          %scan3A_184 = arith.constant 48 : i32
          %scan3A_185 = arith.addi %scan3A_183, %scan3A_184 : i32
          %scan3A_186 = arith.constant 1 : i32
          scf.for %scan3A_188 = %scan3A_183 to %scan3A_185 step %scan3A_186  : i32 {
            %broadcast_in_dim3A = arith.constant 0.000000e+00 : f32
            %broadcast_in_dim3A_189 = vector.broadcast %broadcast_in_dim3A : f32 to vector<16xf32>
            %mul3A_190 = arith.constant 16 : i32
            %mul3A_191 = arith.muli %scan3A_188, %mul3A_190 : i32
            %swap3A = arith.constant 3 : i32
            %swap3A_192 = arith.index_cast %swap3A : i32 to index
            %swap3A_193 = arith.index_cast %mul3A_191 : i32 to index
            %swap3A_194 = tpu.vector_load %arg6[%swap3A_192, %swap3A_193] {strides = array<i32>} : memref<64x768xf32, #tpu.memory_space<vmem>>, vector<16xf32>,
            tpu.vector_store %arg6[%swap3A_192, %swap3A_193], %broadcast_in_dim3A_189 {strides = array<i32>} : memref<64x768xf32, #tpu.memory_space<vmem>>, vector<16xf32>,
          }
          %scan3A_187 = arith.constant 48 : i32
        } else {
        }
        %slice3A_98 = vector.extract_strided_slice %get3A_19 {offsets = [4], sizes = [1], strides = [1]} : vector<16xi32> to vector<1xi32>
        %squeeze3A_99 = vector.extract %slice3A_98[0] : i32 from vector<1xi32>
        %eq3A_100 = arith.constant 0 : i32
        %eq3A_101 = arith.cmpi eq, %squeeze3A_99, %eq3A_100 : i32
        %convert_element_type3A_102 = arith.extui %eq3A_101 : i1 to i32
        %cond3A_103 = arith.constant 0 : i32
        %cond3A_104 = arith.cmpi ne, %convert_element_type3A_102, %cond3A_103 : i32
        scf.if %cond3A_104 {
          %scan3A_182 = arith.constant 0 : i32
          %scan3A_183 = arith.constant 0 : i32
          %scan3A_184 = arith.constant 48 : i32
          %scan3A_185 = arith.addi %scan3A_183, %scan3A_184 : i32
          %scan3A_186 = arith.constant 1 : i32
          scf.for %scan3A_188 = %scan3A_183 to %scan3A_185 step %scan3A_186  : i32 {
            %broadcast_in_dim3A = arith.constant 0.000000e+00 : f32
            %broadcast_in_dim3A_189 = vector.broadcast %broadcast_in_dim3A : f32 to vector<16xf32>
            %mul3A_190 = arith.constant 16 : i32
            %mul3A_191 = arith.muli %scan3A_188, %mul3A_190 : i32
            %swap3A = arith.constant 4 : i32
            %swap3A_192 = arith.index_cast %swap3A : i32 to index
            %swap3A_193 = arith.index_cast %mul3A_191 : i32 to index
            %swap3A_194 = tpu.vector_load %arg6[%swap3A_192, %swap3A_193] {strides = array<i32>} : memref<64x768xf32, #tpu.memory_space<vmem>>, vector<16xf32>,
            tpu.vector_store %arg6[%swap3A_192, %swap3A_193], %broadcast_in_dim3A_189 {strides = array<i32>} : memref<64x768xf32, #tpu.memory_space<vmem>>, vector<16xf32>,
          }
          %scan3A_187 = arith.constant 48 : i32
        } else {
        }
        %slice3A_105 = vector.extract_strided_slice %get3A_19 {offsets = [5], sizes = [1], strides = [1]} : vector<16xi32> to vector<1xi32>
        %squeeze3A_106 = vector.extract %slice3A_105[0] : i32 from vector<1xi32>
        %eq3A_107 = arith.constant 0 : i32
        %eq3A_108 = arith.cmpi eq, %squeeze3A_106, %eq3A_107 : i32
        %convert_element_type3A_109 = arith.extui %eq3A_108 : i1 to i32
        %cond3A_110 = arith.constant 0 : i32
        %cond3A_111 = arith.cmpi ne, %convert_element_type3A_109, %cond3A_110 : i32
        scf.if %cond3A_111 {
          %scan3A_182 = arith.constant 0 : i32
          %scan3A_183 = arith.constant 0 : i32
          %scan3A_184 = arith.constant 48 : i32
          %scan3A_185 = arith.addi %scan3A_183, %scan3A_184 : i32
          %scan3A_186 = arith.constant 1 : i32
          scf.for %scan3A_188 = %scan3A_183 to %scan3A_185 step %scan3A_186  : i32 {
            %broadcast_in_dim3A = arith.constant 0.000000e+00 : f32
            %broadcast_in_dim3A_189 = vector.broadcast %broadcast_in_dim3A : f32 to vector<16xf32>
            %mul3A_190 = arith.constant 16 : i32
            %mul3A_191 = arith.muli %scan3A_188, %mul3A_190 : i32
            %swap3A = arith.constant 5 : i32
            %swap3A_192 = arith.index_cast %swap3A : i32 to index
            %swap3A_193 = arith.index_cast %mul3A_191 : i32 to index
            %swap3A_194 = tpu.vector_load %arg6[%swap3A_192, %swap3A_193] {strides = array<i32>} : memref<64x768xf32, #tpu.memory_space<vmem>>, vector<16xf32>,
            tpu.vector_store %arg6[%swap3A_192, %swap3A_193], %broadcast_in_dim3A_189 {strides = array<i32>} : memref<64x768xf32, #tpu.memory_space<vmem>>, vector<16xf32>,
          }
          %scan3A_187 = arith.constant 48 : i32
        } else {
        }
        %slice3A_112 = vector.extract_strided_slice %get3A_19 {offsets = [6], sizes = [1], strides = [1]} : vector<16xi32> to vector<1xi32>
        %squeeze3A_113 = vector.extract %slice3A_112[0] : i32 from vector<1xi32>
        %eq3A_114 = arith.constant 0 : i32
        %eq3A_115 = arith.cmpi eq, %squeeze3A_113, %eq3A_114 : i32
        %convert_element_type3A_116 = arith.extui %eq3A_115 : i1 to i32
        %cond3A_117 = arith.constant 0 : i32
        %cond3A_118 = arith.cmpi ne, %convert_element_type3A_116, %cond3A_117 : i32
        scf.if %cond3A_118 {
          %scan3A_182 = arith.constant 0 : i32
          %scan3A_183 = arith.constant 0 : i32
          %scan3A_184 = arith.constant 48 : i32
          %scan3A_185 = arith.addi %scan3A_183, %scan3A_184 : i32
          %scan3A_186 = arith.constant 1 : i32
          scf.for %scan3A_188 = %scan3A_183 to %scan3A_185 step %scan3A_186  : i32 {
            %broadcast_in_dim3A = arith.constant 0.000000e+00 : f32
            %broadcast_in_dim3A_189 = vector.broadcast %broadcast_in_dim3A : f32 to vector<16xf32>
            %mul3A_190 = arith.constant 16 : i32
            %mul3A_191 = arith.muli %scan3A_188, %mul3A_190 : i32
            %swap3A = arith.constant 6 : i32
            %swap3A_192 = arith.index_cast %swap3A : i32 to index
            %swap3A_193 = arith.index_cast %mul3A_191 : i32 to index
            %swap3A_194 = tpu.vector_load %arg6[%swap3A_192, %swap3A_193] {strides = array<i32>} : memref<64x768xf32, #tpu.memory_space<vmem>>, vector<16xf32>,
            tpu.vector_store %arg6[%swap3A_192, %swap3A_193], %broadcast_in_dim3A_189 {strides = array<i32>} : memref<64x768xf32, #tpu.memory_space<vmem>>, vector<16xf32>,
          }
          %scan3A_187 = arith.constant 48 : i32
        } else {
        }
        %slice3A_119 = vector.extract_strided_slice %get3A_19 {offsets = [7], sizes = [1], strides = [1]} : vector<16xi32> to vector<1xi32>
        %squeeze3A_120 = vector.extract %slice3A_119[0] : i32 from vector<1xi32>
        %eq3A_121 = arith.constant 0 : i32
        %eq3A_122 = arith.cmpi eq, %squeeze3A_120, %eq3A_121 : i32
        %convert_element_type3A_123 = arith.extui %eq3A_122 : i1 to i32
        %cond3A_124 = arith.constant 0 : i32
        %cond3A_125 = arith.cmpi ne, %convert_element_type3A_123, %cond3A_124 : i32
        scf.if %cond3A_125 {
          %scan3A_182 = arith.constant 0 : i32
          %scan3A_183 = arith.constant 0 : i32
          %scan3A_184 = arith.constant 48 : i32
          %scan3A_185 = arith.addi %scan3A_183, %scan3A_184 : i32
          %scan3A_186 = arith.constant 1 : i32
          scf.for %scan3A_188 = %scan3A_183 to %scan3A_185 step %scan3A_186  : i32 {
            %broadcast_in_dim3A = arith.constant 0.000000e+00 : f32
            %broadcast_in_dim3A_189 = vector.broadcast %broadcast_in_dim3A : f32 to vector<16xf32>
            %mul3A_190 = arith.constant 16 : i32
            %mul3A_191 = arith.muli %scan3A_188, %mul3A_190 : i32
            %swap3A = arith.constant 7 : i32
            %swap3A_192 = arith.index_cast %swap3A : i32 to index
            %swap3A_193 = arith.index_cast %mul3A_191 : i32 to index
            %swap3A_194 = tpu.vector_load %arg6[%swap3A_192, %swap3A_193] {strides = array<i32>} : memref<64x768xf32, #tpu.memory_space<vmem>>, vector<16xf32>,
            tpu.vector_store %arg6[%swap3A_192, %swap3A_193], %broadcast_in_dim3A_189 {strides = array<i32>} : memref<64x768xf32, #tpu.memory_space<vmem>>, vector<16xf32>,
          }
          %scan3A_187 = arith.constant 48 : i32
        } else {
        }
        %slice3A_126 = vector.extract_strided_slice %get3A_19 {offsets = [8], sizes = [1], strides = [1]} : vector<16xi32> to vector<1xi32>
        %squeeze3A_127 = vector.extract %slice3A_126[0] : i32 from vector<1xi32>
        %eq3A_128 = arith.constant 0 : i32
        %eq3A_129 = arith.cmpi eq, %squeeze3A_127, %eq3A_128 : i32
        %convert_element_type3A_130 = arith.extui %eq3A_129 : i1 to i32
        %cond3A_131 = arith.constant 0 : i32
        %cond3A_132 = arith.cmpi ne, %convert_element_type3A_130, %cond3A_131 : i32
        scf.if %cond3A_132 {
          %scan3A_182 = arith.constant 0 : i32
          %scan3A_183 = arith.constant 0 : i32
          %scan3A_184 = arith.constant 48 : i32
          %scan3A_185 = arith.addi %scan3A_183, %scan3A_184 : i32
          %scan3A_186 = arith.constant 1 : i32
          scf.for %scan3A_188 = %scan3A_183 to %scan3A_185 step %scan3A_186  : i32 {
            %broadcast_in_dim3A = arith.constant 0.000000e+00 : f32
            %broadcast_in_dim3A_189 = vector.broadcast %broadcast_in_dim3A : f32 to vector<16xf32>
            %mul3A_190 = arith.constant 16 : i32
            %mul3A_191 = arith.muli %scan3A_188, %mul3A_190 : i32
            %swap3A = arith.constant 8 : i32
            %swap3A_192 = arith.index_cast %swap3A : i32 to index
            %swap3A_193 = arith.index_cast %mul3A_191 : i32 to index
            %swap3A_194 = tpu.vector_load %arg6[%swap3A_192, %swap3A_193] {strides = array<i32>} : memref<64x768xf32, #tpu.memory_space<vmem>>, vector<16xf32>,
            tpu.vector_store %arg6[%swap3A_192, %swap3A_193], %broadcast_in_dim3A_189 {strides = array<i32>} : memref<64x768xf32, #tpu.memory_space<vmem>>, vector<16xf32>,
          }
          %scan3A_187 = arith.constant 48 : i32
        } else {
        }
        %slice3A_133 = vector.extract_strided_slice %get3A_19 {offsets = [9], sizes = [1], strides = [1]} : vector<16xi32> to vector<1xi32>
        %squeeze3A_134 = vector.extract %slice3A_133[0] : i32 from vector<1xi32>
        %eq3A_135 = arith.constant 0 : i32
        %eq3A_136 = arith.cmpi eq, %squeeze3A_134, %eq3A_135 : i32
        %convert_element_type3A_137 = arith.extui %eq3A_136 : i1 to i32
        %cond3A_138 = arith.constant 0 : i32
        %cond3A_139 = arith.cmpi ne, %convert_element_type3A_137, %cond3A_138 : i32
        scf.if %cond3A_139 {
          %scan3A_182 = arith.constant 0 : i32
          %scan3A_183 = arith.constant 0 : i32
          %scan3A_184 = arith.constant 48 : i32
          %scan3A_185 = arith.addi %scan3A_183, %scan3A_184 : i32
          %scan3A_186 = arith.constant 1 : i32
          scf.for %scan3A_188 = %scan3A_183 to %scan3A_185 step %scan3A_186  : i32 {
            %broadcast_in_dim3A = arith.constant 0.000000e+00 : f32
            %broadcast_in_dim3A_189 = vector.broadcast %broadcast_in_dim3A : f32 to vector<16xf32>
            %mul3A_190 = arith.constant 16 : i32
            %mul3A_191 = arith.muli %scan3A_188, %mul3A_190 : i32
            %swap3A = arith.constant 9 : i32
            %swap3A_192 = arith.index_cast %swap3A : i32 to index
            %swap3A_193 = arith.index_cast %mul3A_191 : i32 to index
            %swap3A_194 = tpu.vector_load %arg6[%swap3A_192, %swap3A_193] {strides = array<i32>} : memref<64x768xf32, #tpu.memory_space<vmem>>, vector<16xf32>,
            tpu.vector_store %arg6[%swap3A_192, %swap3A_193], %broadcast_in_dim3A_189 {strides = array<i32>} : memref<64x768xf32, #tpu.memory_space<vmem>>, vector<16xf32>,
          }
          %scan3A_187 = arith.constant 48 : i32
        } else {
        }
        %slice3A_140 = vector.extract_strided_slice %get3A_19 {offsets = [10], sizes = [1], strides = [1]} : vector<16xi32> to vector<1xi32>
        %squeeze3A_141 = vector.extract %slice3A_140[0] : i32 from vector<1xi32>
        %eq3A_142 = arith.constant 0 : i32
        %eq3A_143 = arith.cmpi eq, %squeeze3A_141, %eq3A_142 : i32
        %convert_element_type3A_144 = arith.extui %eq3A_143 : i1 to i32
        %cond3A_145 = arith.constant 0 : i32
        %cond3A_146 = arith.cmpi ne, %convert_element_type3A_144, %cond3A_145 : i32
        scf.if %cond3A_146 {
          %scan3A_182 = arith.constant 0 : i32
          %scan3A_183 = arith.constant 0 : i32
          %scan3A_184 = arith.constant 48 : i32
          %scan3A_185 = arith.addi %scan3A_183, %scan3A_184 : i32
          %scan3A_186 = arith.constant 1 : i32
          scf.for %scan3A_188 = %scan3A_183 to %scan3A_185 step %scan3A_186  : i32 {
            %broadcast_in_dim3A = arith.constant 0.000000e+00 : f32
            %broadcast_in_dim3A_189 = vector.broadcast %broadcast_in_dim3A : f32 to vector<16xf32>
            %mul3A_190 = arith.constant 16 : i32
            %mul3A_191 = arith.muli %scan3A_188, %mul3A_190 : i32
            %swap3A = arith.constant 10 : i32
            %swap3A_192 = arith.index_cast %swap3A : i32 to index
            %swap3A_193 = arith.index_cast %mul3A_191 : i32 to index
            %swap3A_194 = tpu.vector_load %arg6[%swap3A_192, %swap3A_193] {strides = array<i32>} : memref<64x768xf32, #tpu.memory_space<vmem>>, vector<16xf32>,
            tpu.vector_store %arg6[%swap3A_192, %swap3A_193], %broadcast_in_dim3A_189 {strides = array<i32>} : memref<64x768xf32, #tpu.memory_space<vmem>>, vector<16xf32>,
          }
          %scan3A_187 = arith.constant 48 : i32
        } else {
        }
        %slice3A_147 = vector.extract_strided_slice %get3A_19 {offsets = [11], sizes = [1], strides = [1]} : vector<16xi32> to vector<1xi32>
        %squeeze3A_148 = vector.extract %slice3A_147[0] : i32 from vector<1xi32>
        %eq3A_149 = arith.constant 0 : i32
        %eq3A_150 = arith.cmpi eq, %squeeze3A_148, %eq3A_149 : i32
        %convert_element_type3A_151 = arith.extui %eq3A_150 : i1 to i32
        %cond3A_152 = arith.constant 0 : i32
        %cond3A_153 = arith.cmpi ne, %convert_element_type3A_151, %cond3A_152 : i32
        scf.if %cond3A_153 {
          %scan3A_182 = arith.constant 0 : i32
          %scan3A_183 = arith.constant 0 : i32
          %scan3A_184 = arith.constant 48 : i32
          %scan3A_185 = arith.addi %scan3A_183, %scan3A_184 : i32
          %scan3A_186 = arith.constant 1 : i32
          scf.for %scan3A_188 = %scan3A_183 to %scan3A_185 step %scan3A_186  : i32 {
            %broadcast_in_dim3A = arith.constant 0.000000e+00 : f32
            %broadcast_in_dim3A_189 = vector.broadcast %broadcast_in_dim3A : f32 to vector<16xf32>
            %mul3A_190 = arith.constant 16 : i32
            %mul3A_191 = arith.muli %scan3A_188, %mul3A_190 : i32
            %swap3A = arith.constant 11 : i32
            %swap3A_192 = arith.index_cast %swap3A : i32 to index
            %swap3A_193 = arith.index_cast %mul3A_191 : i32 to index
            %swap3A_194 = tpu.vector_load %arg6[%swap3A_192, %swap3A_193] {strides = array<i32>} : memref<64x768xf32, #tpu.memory_space<vmem>>, vector<16xf32>,
            tpu.vector_store %arg6[%swap3A_192, %swap3A_193], %broadcast_in_dim3A_189 {strides = array<i32>} : memref<64x768xf32, #tpu.memory_space<vmem>>, vector<16xf32>,
          }
          %scan3A_187 = arith.constant 48 : i32
        } else {
        }
        %slice3A_154 = vector.extract_strided_slice %get3A_19 {offsets = [12], sizes = [1], strides = [1]} : vector<16xi32> to vector<1xi32>
        %squeeze3A_155 = vector.extract %slice3A_154[0] : i32 from vector<1xi32>
        %eq3A_156 = arith.constant 0 : i32
        %eq3A_157 = arith.cmpi eq, %squeeze3A_155, %eq3A_156 : i32
        %convert_element_type3A_158 = arith.extui %eq3A_157 : i1 to i32
        %cond3A_159 = arith.constant 0 : i32
        %cond3A_160 = arith.cmpi ne, %convert_element_type3A_158, %cond3A_159 : i32
        scf.if %cond3A_160 {
          %scan3A_182 = arith.constant 0 : i32
          %scan3A_183 = arith.constant 0 : i32
          %scan3A_184 = arith.constant 48 : i32
          %scan3A_185 = arith.addi %scan3A_183, %scan3A_184 : i32
          %scan3A_186 = arith.constant 1 : i32
          scf.for %scan3A_188 = %scan3A_183 to %scan3A_185 step %scan3A_186  : i32 {
            %broadcast_in_dim3A = arith.constant 0.000000e+00 : f32
            %broadcast_in_dim3A_189 = vector.broadcast %broadcast_in_dim3A : f32 to vector<16xf32>
            %mul3A_190 = arith.constant 16 : i32
            %mul3A_191 = arith.muli %scan3A_188, %mul3A_190 : i32
            %swap3A = arith.constant 12 : i32
            %swap3A_192 = arith.index_cast %swap3A : i32 to index
            %swap3A_193 = arith.index_cast %mul3A_191 : i32 to index
            %swap3A_194 = tpu.vector_load %arg6[%swap3A_192, %swap3A_193] {strides = array<i32>} : memref<64x768xf32, #tpu.memory_space<vmem>>, vector<16xf32>,
            tpu.vector_store %arg6[%swap3A_192, %swap3A_193], %broadcast_in_dim3A_189 {strides = array<i32>} : memref<64x768xf32, #tpu.memory_space<vmem>>, vector<16xf32>,
          }
          %scan3A_187 = arith.constant 48 : i32
        } else {
        }
        %slice3A_161 = vector.extract_strided_slice %get3A_19 {offsets = [13], sizes = [1], strides = [1]} : vector<16xi32> to vector<1xi32>
        %squeeze3A_162 = vector.extract %slice3A_161[0] : i32 from vector<1xi32>
        %eq3A_163 = arith.constant 0 : i32
        %eq3A_164 = arith.cmpi eq, %squeeze3A_162, %eq3A_163 : i32
        %convert_element_type3A_165 = arith.extui %eq3A_164 : i1 to i32
        %cond3A_166 = arith.constant 0 : i32
        %cond3A_167 = arith.cmpi ne, %convert_element_type3A_165, %cond3A_166 : i32
        scf.if %cond3A_167 {
          %scan3A_182 = arith.constant 0 : i32
          %scan3A_183 = arith.constant 0 : i32
          %scan3A_184 = arith.constant 48 : i32
          %scan3A_185 = arith.addi %scan3A_183, %scan3A_184 : i32
          %scan3A_186 = arith.constant 1 : i32
          scf.for %scan3A_188 = %scan3A_183 to %scan3A_185 step %scan3A_186  : i32 {
            %broadcast_in_dim3A = arith.constant 0.000000e+00 : f32
            %broadcast_in_dim3A_189 = vector.broadcast %broadcast_in_dim3A : f32 to vector<16xf32>
            %mul3A_190 = arith.constant 16 : i32
            %mul3A_191 = arith.muli %scan3A_188, %mul3A_190 : i32
            %swap3A = arith.constant 13 : i32
            %swap3A_192 = arith.index_cast %swap3A : i32 to index
            %swap3A_193 = arith.index_cast %mul3A_191 : i32 to index
            %swap3A_194 = tpu.vector_load %arg6[%swap3A_192, %swap3A_193] {strides = array<i32>} : memref<64x768xf32, #tpu.memory_space<vmem>>, vector<16xf32>,
            tpu.vector_store %arg6[%swap3A_192, %swap3A_193], %broadcast_in_dim3A_189 {strides = array<i32>} : memref<64x768xf32, #tpu.memory_space<vmem>>, vector<16xf32>,
          }
          %scan3A_187 = arith.constant 48 : i32
        } else {
        }
        %slice3A_168 = vector.extract_strided_slice %get3A_19 {offsets = [14], sizes = [1], strides = [1]} : vector<16xi32> to vector<1xi32>
        %squeeze3A_169 = vector.extract %slice3A_168[0] : i32 from vector<1xi32>
        %eq3A_170 = arith.constant 0 : i32
        %eq3A_171 = arith.cmpi eq, %squeeze3A_169, %eq3A_170 : i32
        %convert_element_type3A_172 = arith.extui %eq3A_171 : i1 to i32
        %cond3A_173 = arith.constant 0 : i32
        %cond3A_174 = arith.cmpi ne, %convert_element_type3A_172, %cond3A_173 : i32
        scf.if %cond3A_174 {
          %scan3A_182 = arith.constant 0 : i32
          %scan3A_183 = arith.constant 0 : i32
          %scan3A_184 = arith.constant 48 : i32
          %scan3A_185 = arith.addi %scan3A_183, %scan3A_184 : i32
          %scan3A_186 = arith.constant 1 : i32
          scf.for %scan3A_188 = %scan3A_183 to %scan3A_185 step %scan3A_186  : i32 {
            %broadcast_in_dim3A = arith.constant 0.000000e+00 : f32
            %broadcast_in_dim3A_189 = vector.broadcast %broadcast_in_dim3A : f32 to vector<16xf32>
            %mul3A_190 = arith.constant 16 : i32
            %mul3A_191 = arith.muli %scan3A_188, %mul3A_190 : i32
            %swap3A = arith.constant 14 : i32
            %swap3A_192 = arith.index_cast %swap3A : i32 to index
            %swap3A_193 = arith.index_cast %mul3A_191 : i32 to index
            %swap3A_194 = tpu.vector_load %arg6[%swap3A_192, %swap3A_193] {strides = array<i32>} : memref<64x768xf32, #tpu.memory_space<vmem>>, vector<16xf32>,
            tpu.vector_store %arg6[%swap3A_192, %swap3A_193], %broadcast_in_dim3A_189 {strides = array<i32>} : memref<64x768xf32, #tpu.memory_space<vmem>>, vector<16xf32>,
          }
          %scan3A_187 = arith.constant 48 : i32
        } else {
        }
        %slice3A_175 = vector.extract_strided_slice %get3A_19 {offsets = [15], sizes = [1], strides = [1]} : vector<16xi32> to vector<1xi32>
        %squeeze3A_176 = vector.extract %slice3A_175[0] : i32 from vector<1xi32>
        %eq3A_177 = arith.constant 0 : i32
        %eq3A_178 = arith.cmpi eq, %squeeze3A_176, %eq3A_177 : i32
        %convert_element_type3A_179 = arith.extui %eq3A_178 : i1 to i32
        %cond3A_180 = arith.constant 0 : i32
        %cond3A_181 = arith.cmpi ne, %convert_element_type3A_179, %cond3A_180 : i32
        scf.if %cond3A_181 {
          %scan3A_182 = arith.constant 0 : i32
          %scan3A_183 = arith.constant 0 : i32
          %scan3A_184 = arith.constant 48 : i32
          %scan3A_185 = arith.addi %scan3A_183, %scan3A_184 : i32
          %scan3A_186 = arith.constant 1 : i32
          scf.for %scan3A_188 = %scan3A_183 to %scan3A_185 step %scan3A_186  : i32 {
            %broadcast_in_dim3A = arith.constant 0.000000e+00 : f32
            %broadcast_in_dim3A_189 = vector.broadcast %broadcast_in_dim3A : f32 to vector<16xf32>
            %mul3A_190 = arith.constant 16 : i32
            %mul3A_191 = arith.muli %scan3A_188, %mul3A_190 : i32
            %swap3A = arith.constant 15 : i32
            %swap3A_192 = arith.index_cast %swap3A : i32 to index
            %swap3A_193 = arith.index_cast %mul3A_191 : i32 to index
            %swap3A_194 = tpu.vector_load %arg6[%swap3A_192, %swap3A_193] {strides = array<i32>} : memref<64x768xf32, #tpu.memory_space<vmem>>, vector<16xf32>,
            tpu.vector_store %arg6[%swap3A_192, %swap3A_193], %broadcast_in_dim3A_189 {strides = array<i32>} : memref<64x768xf32, #tpu.memory_space<vmem>>, vector<16xf32>,
          }
          %scan3A_187 = arith.constant 48 : i32
        } else {
        }
      } else {
      }
      %add3A_24 = arith.constant 16 : i32
      %add3A_25 = arith.addi %mul3A_10, %add3A_24 : i32
      %get3A_26 = arith.index_cast %add3A_25 : i32 to index
      %get3A_27 = tpu.vector_load %arg5[%get3A_26] {strides = array<i32>} : memref<6400xi32, #tpu.memory_space<vmem>>, vector<16xi32>,
      %eq3A_28 = arith.constant 0 : i32
      %eq3A_29 = vector.broadcast %eq3A_28 : i32 to vector<16xi32>
      %eq3A_30 = arith.cmpi eq, %get3A_27, %eq3A_29 : vector<16xi32>
      %all_reduce_population_count3A_31 = tpu.all_reduce %eq3A_30 {dim = 0 : i64, kind = #tpu.reduction_kind<sum>} : vector<16xi1> -> vector<16xi32>
      %slice3A_32 = vector.extract_strided_slice %all_reduce_population_count3A_31 {offsets = [0], sizes = [1], strides = [1]} : vector<16xi32> to vector<1xi32>
      %squeeze3A_33 = vector.extract %slice3A_32[0] : i32 from vector<1xi32>
      %gt3A_34 = arith.constant 0 : i32
      %gt3A_35 = arith.cmpi sgt, %squeeze3A_33, %gt3A_34 : i32
      %convert_element_type3A_36 = arith.extui %gt3A_35 : i1 to i32
      %cond3A_37 = arith.constant 0 : i32
      %cond3A_38 = arith.cmpi ne, %convert_element_type3A_36, %cond3A_37 : i32
      scf.if %cond3A_38 {
        %slice3A_70 = vector.extract_strided_slice %get3A_27 {offsets = [0], sizes = [1], strides = [1]} : vector<16xi32> to vector<1xi32>
        %squeeze3A_71 = vector.extract %slice3A_70[0] : i32 from vector<1xi32>
        %eq3A_72 = arith.constant 0 : i32
        %eq3A_73 = arith.cmpi eq, %squeeze3A_71, %eq3A_72 : i32
        %convert_element_type3A_74 = arith.extui %eq3A_73 : i1 to i32
        %cond3A_75 = arith.constant 0 : i32
        %cond3A_76 = arith.cmpi ne, %convert_element_type3A_74, %cond3A_75 : i32
        scf.if %cond3A_76 {
          %scan3A_182 = arith.constant 0 : i32
          %scan3A_183 = arith.constant 0 : i32
          %scan3A_184 = arith.constant 48 : i32
          %scan3A_185 = arith.addi %scan3A_183, %scan3A_184 : i32
          %scan3A_186 = arith.constant 1 : i32
          scf.for %scan3A_188 = %scan3A_183 to %scan3A_185 step %scan3A_186  : i32 {
            %broadcast_in_dim3A = arith.constant 0.000000e+00 : f32
            %broadcast_in_dim3A_189 = vector.broadcast %broadcast_in_dim3A : f32 to vector<16xf32>
            %mul3A_190 = arith.constant 16 : i32
            %mul3A_191 = arith.muli %scan3A_188, %mul3A_190 : i32
            %swap3A = arith.constant 16 : i32
            %swap3A_192 = arith.index_cast %swap3A : i32 to index
            %swap3A_193 = arith.index_cast %mul3A_191 : i32 to index
            %swap3A_194 = tpu.vector_load %arg6[%swap3A_192, %swap3A_193] {strides = array<i32>} : memref<64x768xf32, #tpu.memory_space<vmem>>, vector<16xf32>,
            tpu.vector_store %arg6[%swap3A_192, %swap3A_193], %broadcast_in_dim3A_189 {strides = array<i32>} : memref<64x768xf32, #tpu.memory_space<vmem>>, vector<16xf32>,
          }
          %scan3A_187 = arith.constant 48 : i32
        } else {
        }
        %slice3A_77 = vector.extract_strided_slice %get3A_27 {offsets = [1], sizes = [1], strides = [1]} : vector<16xi32> to vector<1xi32>
        %squeeze3A_78 = vector.extract %slice3A_77[0] : i32 from vector<1xi32>
        %eq3A_79 = arith.constant 0 : i32
        %eq3A_80 = arith.cmpi eq, %squeeze3A_78, %eq3A_79 : i32
        %convert_element_type3A_81 = arith.extui %eq3A_80 : i1 to i32
        %cond3A_82 = arith.constant 0 : i32
        %cond3A_83 = arith.cmpi ne, %convert_element_type3A_81, %cond3A_82 : i32
        scf.if %cond3A_83 {
          %scan3A_182 = arith.constant 0 : i32
          %scan3A_183 = arith.constant 0 : i32
          %scan3A_184 = arith.constant 48 : i32
          %scan3A_185 = arith.addi %scan3A_183, %scan3A_184 : i32
          %scan3A_186 = arith.constant 1 : i32
          scf.for %scan3A_188 = %scan3A_183 to %scan3A_185 step %scan3A_186  : i32 {
            %broadcast_in_dim3A = arith.constant 0.000000e+00 : f32
            %broadcast_in_dim3A_189 = vector.broadcast %broadcast_in_dim3A : f32 to vector<16xf32>
            %mul3A_190 = arith.constant 16 : i32
            %mul3A_191 = arith.muli %scan3A_188, %mul3A_190 : i32
            %swap3A = arith.constant 17 : i32
            %swap3A_192 = arith.index_cast %swap3A : i32 to index
            %swap3A_193 = arith.index_cast %mul3A_191 : i32 to index
            %swap3A_194 = tpu.vector_load %arg6[%swap3A_192, %swap3A_193] {strides = array<i32>} : memref<64x768xf32, #tpu.memory_space<vmem>>, vector<16xf32>,
            tpu.vector_store %arg6[%swap3A_192, %swap3A_193], %broadcast_in_dim3A_189 {strides = array<i32>} : memref<64x768xf32, #tpu.memory_space<vmem>>, vector<16xf32>,
          }
          %scan3A_187 = arith.constant 48 : i32
        } else {
        }
        %slice3A_84 = vector.extract_strided_slice %get3A_27 {offsets = [2], sizes = [1], strides = [1]} : vector<16xi32> to vector<1xi32>
        %squeeze3A_85 = vector.extract %slice3A_84[0] : i32 from vector<1xi32>
        %eq3A_86 = arith.constant 0 : i32
        %eq3A_87 = arith.cmpi eq, %squeeze3A_85, %eq3A_86 : i32
        %convert_element_type3A_88 = arith.extui %eq3A_87 : i1 to i32
        %cond3A_89 = arith.constant 0 : i32
        %cond3A_90 = arith.cmpi ne, %convert_element_type3A_88, %cond3A_89 : i32
        scf.if %cond3A_90 {
          %scan3A_182 = arith.constant 0 : i32
          %scan3A_183 = arith.constant 0 : i32
          %scan3A_184 = arith.constant 48 : i32
          %scan3A_185 = arith.addi %scan3A_183, %scan3A_184 : i32
          %scan3A_186 = arith.constant 1 : i32
          scf.for %scan3A_188 = %scan3A_183 to %scan3A_185 step %scan3A_186  : i32 {
            %broadcast_in_dim3A = arith.constant 0.000000e+00 : f32
            %broadcast_in_dim3A_189 = vector.broadcast %broadcast_in_dim3A : f32 to vector<16xf32>
            %mul3A_190 = arith.constant 16 : i32
            %mul3A_191 = arith.muli %scan3A_188, %mul3A_190 : i32
            %swap3A = arith.constant 18 : i32
            %swap3A_192 = arith.index_cast %swap3A : i32 to index
            %swap3A_193 = arith.index_cast %mul3A_191 : i32 to index
            %swap3A_194 = tpu.vector_load %arg6[%swap3A_192, %swap3A_193] {strides = array<i32>} : memref<64x768xf32, #tpu.memory_space<vmem>>, vector<16xf32>,
            tpu.vector_store %arg6[%swap3A_192, %swap3A_193], %broadcast_in_dim3A_189 {strides = array<i32>} : memref<64x768xf32, #tpu.memory_space<vmem>>, vector<16xf32>,
          }
          %scan3A_187 = arith.constant 48 : i32
        } else {
        }
        %slice3A_91 = vector.extract_strided_slice %get3A_27 {offsets = [3], sizes = [1], strides = [1]} : vector<16xi32> to vector<1xi32>
        %squeeze3A_92 = vector.extract %slice3A_91[0] : i32 from vector<1xi32>
        %eq3A_93 = arith.constant 0 : i32
        %eq3A_94 = arith.cmpi eq, %squeeze3A_92, %eq3A_93 : i32
        %convert_element_type3A_95 = arith.extui %eq3A_94 : i1 to i32
        %cond3A_96 = arith.constant 0 : i32
        %cond3A_97 = arith.cmpi ne, %convert_element_type3A_95, %cond3A_96 : i32
        scf.if %cond3A_97 {
          %scan3A_182 = arith.constant 0 : i32
          %scan3A_183 = arith.constant 0 : i32
          %scan3A_184 = arith.constant 48 : i32
          %scan3A_185 = arith.addi %scan3A_183, %scan3A_184 : i32
          %scan3A_186 = arith.constant 1 : i32
          scf.for %scan3A_188 = %scan3A_183 to %scan3A_185 step %scan3A_186  : i32 {
            %broadcast_in_dim3A = arith.constant 0.000000e+00 : f32
            %broadcast_in_dim3A_189 = vector.broadcast %broadcast_in_dim3A : f32 to vector<16xf32>
            %mul3A_190 = arith.constant 16 : i32
            %mul3A_191 = arith.muli %scan3A_188, %mul3A_190 : i32
            %swap3A = arith.constant 19 : i32
            %swap3A_192 = arith.index_cast %swap3A : i32 to index
            %swap3A_193 = arith.index_cast %mul3A_191 : i32 to index
            %swap3A_194 = tpu.vector_load %arg6[%swap3A_192, %swap3A_193] {strides = array<i32>} : memref<64x768xf32, #tpu.memory_space<vmem>>, vector<16xf32>,
            tpu.vector_store %arg6[%swap3A_192, %swap3A_193], %broadcast_in_dim3A_189 {strides = array<i32>} : memref<64x768xf32, #tpu.memory_space<vmem>>, vector<16xf32>,
          }
          %scan3A_187 = arith.constant 48 : i32
        } else {
        }
        %slice3A_98 = vector.extract_strided_slice %get3A_27 {offsets = [4], sizes = [1], strides = [1]} : vector<16xi32> to vector<1xi32>
        %squeeze3A_99 = vector.extract %slice3A_98[0] : i32 from vector<1xi32>
        %eq3A_100 = arith.constant 0 : i32
        %eq3A_101 = arith.cmpi eq, %squeeze3A_99, %eq3A_100 : i32
        %convert_element_type3A_102 = arith.extui %eq3A_101 : i1 to i32
        %cond3A_103 = arith.constant 0 : i32
        %cond3A_104 = arith.cmpi ne, %convert_element_type3A_102, %cond3A_103 : i32
        scf.if %cond3A_104 {
          %scan3A_182 = arith.constant 0 : i32
          %scan3A_183 = arith.constant 0 : i32
          %scan3A_184 = arith.constant 48 : i32
          %scan3A_185 = arith.addi %scan3A_183, %scan3A_184 : i32
          %scan3A_186 = arith.constant 1 : i32
          scf.for %scan3A_188 = %scan3A_183 to %scan3A_185 step %scan3A_186  : i32 {
            %broadcast_in_dim3A = arith.constant 0.000000e+00 : f32
            %broadcast_in_dim3A_189 = vector.broadcast %broadcast_in_dim3A : f32 to vector<16xf32>
            %mul3A_190 = arith.constant 16 : i32
            %mul3A_191 = arith.muli %scan3A_188, %mul3A_190 : i32
            %swap3A = arith.constant 20 : i32
            %swap3A_192 = arith.index_cast %swap3A : i32 to index
            %swap3A_193 = arith.index_cast %mul3A_191 : i32 to index
            %swap3A_194 = tpu.vector_load %arg6[%swap3A_192, %swap3A_193] {strides = array<i32>} : memref<64x768xf32, #tpu.memory_space<vmem>>, vector<16xf32>,
            tpu.vector_store %arg6[%swap3A_192, %swap3A_193], %broadcast_in_dim3A_189 {strides = array<i32>} : memref<64x768xf32, #tpu.memory_space<vmem>>, vector<16xf32>,
          }
          %scan3A_187 = arith.constant 48 : i32
        } else {
        }
        %slice3A_105 = vector.extract_strided_slice %get3A_27 {offsets = [5], sizes = [1], strides = [1]} : vector<16xi32> to vector<1xi32>
        %squeeze3A_106 = vector.extract %slice3A_105[0] : i32 from vector<1xi32>
        %eq3A_107 = arith.constant 0 : i32
        %eq3A_108 = arith.cmpi eq, %squeeze3A_106, %eq3A_107 : i32
        %convert_element_type3A_109 = arith.extui %eq3A_108 : i1 to i32
        %cond3A_110 = arith.constant 0 : i32
        %cond3A_111 = arith.cmpi ne, %convert_element_type3A_109, %cond3A_110 : i32
        scf.if %cond3A_111 {
          %scan3A_182 = arith.constant 0 : i32
          %scan3A_183 = arith.constant 0 : i32
          %scan3A_184 = arith.constant 48 : i32
          %scan3A_185 = arith.addi %scan3A_183, %scan3A_184 : i32
          %scan3A_186 = arith.constant 1 : i32
          scf.for %scan3A_188 = %scan3A_183 to %scan3A_185 step %scan3A_186  : i32 {
            %broadcast_in_dim3A = arith.constant 0.000000e+00 : f32
            %broadcast_in_dim3A_189 = vector.broadcast %broadcast_in_dim3A : f32 to vector<16xf32>
            %mul3A_190 = arith.constant 16 : i32
            %mul3A_191 = arith.muli %scan3A_188, %mul3A_190 : i32
            %swap3A = arith.constant 21 : i32
            %swap3A_192 = arith.index_cast %swap3A : i32 to index
            %swap3A_193 = arith.index_cast %mul3A_191 : i32 to index
            %swap3A_194 = tpu.vector_load %arg6[%swap3A_192, %swap3A_193] {strides = array<i32>} : memref<64x768xf32, #tpu.memory_space<vmem>>, vector<16xf32>,
            tpu.vector_store %arg6[%swap3A_192, %swap3A_193], %broadcast_in_dim3A_189 {strides = array<i32>} : memref<64x768xf32, #tpu.memory_space<vmem>>, vector<16xf32>,
          }
          %scan3A_187 = arith.constant 48 : i32
        } else {
        }
        %slice3A_112 = vector.extract_strided_slice %get3A_27 {offsets = [6], sizes = [1], strides = [1]} : vector<16xi32> to vector<1xi32>
        %squeeze3A_113 = vector.extract %slice3A_112[0] : i32 from vector<1xi32>
        %eq3A_114 = arith.constant 0 : i32
        %eq3A_115 = arith.cmpi eq, %squeeze3A_113, %eq3A_114 : i32
        %convert_element_type3A_116 = arith.extui %eq3A_115 : i1 to i32
        %cond3A_117 = arith.constant 0 : i32
        %cond3A_118 = arith.cmpi ne, %convert_element_type3A_116, %cond3A_117 : i32
        scf.if %cond3A_118 {
          %scan3A_182 = arith.constant 0 : i32
          %scan3A_183 = arith.constant 0 : i32
          %scan3A_184 = arith.constant 48 : i32
          %scan3A_185 = arith.addi %scan3A_183, %scan3A_184 : i32
          %scan3A_186 = arith.constant 1 : i32
          scf.for %scan3A_188 = %scan3A_183 to %scan3A_185 step %scan3A_186  : i32 {
            %broadcast_in_dim3A = arith.constant 0.000000e+00 : f32
            %broadcast_in_dim3A_189 = vector.broadcast %broadcast_in_dim3A : f32 to vector<16xf32>
            %mul3A_190 = arith.constant 16 : i32
            %mul3A_191 = arith.muli %scan3A_188, %mul3A_190 : i32
            %swap3A = arith.constant 22 : i32
            %swap3A_192 = arith.index_cast %swap3A : i32 to index
            %swap3A_193 = arith.index_cast %mul3A_191 : i32 to index
            %swap3A_194 = tpu.vector_load %arg6[%swap3A_192, %swap3A_193] {strides = array<i32>} : memref<64x768xf32, #tpu.memory_space<vmem>>, vector<16xf32>,
            tpu.vector_store %arg6[%swap3A_192, %swap3A_193], %broadcast_in_dim3A_189 {strides = array<i32>} : memref<64x768xf32, #tpu.memory_space<vmem>>, vector<16xf32>,
          }
          %scan3A_187 = arith.constant 48 : i32
        } else {
        }
        %slice3A_119 = vector.extract_strided_slice %get3A_27 {offsets = [7], sizes = [1], strides = [1]} : vector<16xi32> to vector<1xi32>
        %squeeze3A_120 = vector.extract %slice3A_119[0] : i32 from vector<1xi32>
        %eq3A_121 = arith.constant 0 : i32
        %eq3A_122 = arith.cmpi eq, %squeeze3A_120, %eq3A_121 : i32
        %convert_element_type3A_123 = arith.extui %eq3A_122 : i1 to i32
        %cond3A_124 = arith.constant 0 : i32
        %cond3A_125 = arith.cmpi ne, %convert_element_type3A_123, %cond3A_124 : i32
        scf.if %cond3A_125 {
          %scan3A_182 = arith.constant 0 : i32
          %scan3A_183 = arith.constant 0 : i32
          %scan3A_184 = arith.constant 48 : i32
          %scan3A_185 = arith.addi %scan3A_183, %scan3A_184 : i32
          %scan3A_186 = arith.constant 1 : i32
          scf.for %scan3A_188 = %scan3A_183 to %scan3A_185 step %scan3A_186  : i32 {
            %broadcast_in_dim3A = arith.constant 0.000000e+00 : f32
            %broadcast_in_dim3A_189 = vector.broadcast %broadcast_in_dim3A : f32 to vector<16xf32>
            %mul3A_190 = arith.constant 16 : i32
            %mul3A_191 = arith.muli %scan3A_188, %mul3A_190 : i32
            %swap3A = arith.constant 23 : i32
            %swap3A_192 = arith.index_cast %swap3A : i32 to index
            %swap3A_193 = arith.index_cast %mul3A_191 : i32 to index
            %swap3A_194 = tpu.vector_load %arg6[%swap3A_192, %swap3A_193] {strides = array<i32>} : memref<64x768xf32, #tpu.memory_space<vmem>>, vector<16xf32>,
            tpu.vector_store %arg6[%swap3A_192, %swap3A_193], %broadcast_in_dim3A_189 {strides = array<i32>} : memref<64x768xf32, #tpu.memory_space<vmem>>, vector<16xf32>,
          }
          %scan3A_187 = arith.constant 48 : i32
        } else {
        }
        %slice3A_126 = vector.extract_strided_slice %get3A_27 {offsets = [8], sizes = [1], strides = [1]} : vector<16xi32> to vector<1xi32>
        %squeeze3A_127 = vector.extract %slice3A_126[0] : i32 from vector<1xi32>
        %eq3A_128 = arith.constant 0 : i32
        %eq3A_129 = arith.cmpi eq, %squeeze3A_127, %eq3A_128 : i32
        %convert_element_type3A_130 = arith.extui %eq3A_129 : i1 to i32
        %cond3A_131 = arith.constant 0 : i32
        %cond3A_132 = arith.cmpi ne, %convert_element_type3A_130, %cond3A_131 : i32
        scf.if %cond3A_132 {
          %scan3A_182 = arith.constant 0 : i32
          %scan3A_183 = arith.constant 0 : i32
          %scan3A_184 = arith.constant 48 : i32
          %scan3A_185 = arith.addi %scan3A_183, %scan3A_184 : i32
          %scan3A_186 = arith.constant 1 : i32
          scf.for %scan3A_188 = %scan3A_183 to %scan3A_185 step %scan3A_186  : i32 {
            %broadcast_in_dim3A = arith.constant 0.000000e+00 : f32
            %broadcast_in_dim3A_189 = vector.broadcast %broadcast_in_dim3A : f32 to vector<16xf32>
            %mul3A_190 = arith.constant 16 : i32
            %mul3A_191 = arith.muli %scan3A_188, %mul3A_190 : i32
            %swap3A = arith.constant 24 : i32
            %swap3A_192 = arith.index_cast %swap3A : i32 to index
            %swap3A_193 = arith.index_cast %mul3A_191 : i32 to index
            %swap3A_194 = tpu.vector_load %arg6[%swap3A_192, %swap3A_193] {strides = array<i32>} : memref<64x768xf32, #tpu.memory_space<vmem>>, vector<16xf32>,
            tpu.vector_store %arg6[%swap3A_192, %swap3A_193], %broadcast_in_dim3A_189 {strides = array<i32>} : memref<64x768xf32, #tpu.memory_space<vmem>>, vector<16xf32>,
          }
          %scan3A_187 = arith.constant 48 : i32
        } else {
        }
        %slice3A_133 = vector.extract_strided_slice %get3A_27 {offsets = [9], sizes = [1], strides = [1]} : vector<16xi32> to vector<1xi32>
        %squeeze3A_134 = vector.extract %slice3A_133[0] : i32 from vector<1xi32>
        %eq3A_135 = arith.constant 0 : i32
        %eq3A_136 = arith.cmpi eq, %squeeze3A_134, %eq3A_135 : i32
        %convert_element_type3A_137 = arith.extui %eq3A_136 : i1 to i32
        %cond3A_138 = arith.constant 0 : i32
        %cond3A_139 = arith.cmpi ne, %convert_element_type3A_137, %cond3A_138 : i32
        scf.if %cond3A_139 {
          %scan3A_182 = arith.constant 0 : i32
          %scan3A_183 = arith.constant 0 : i32
          %scan3A_184 = arith.constant 48 : i32
          %scan3A_185 = arith.addi %scan3A_183, %scan3A_184 : i32
          %scan3A_186 = arith.constant 1 : i32
          scf.for %scan3A_188 = %scan3A_183 to %scan3A_185 step %scan3A_186  : i32 {
            %broadcast_in_dim3A = arith.constant 0.000000e+00 : f32
            %broadcast_in_dim3A_189 = vector.broadcast %broadcast_in_dim3A : f32 to vector<16xf32>
            %mul3A_190 = arith.constant 16 : i32
            %mul3A_191 = arith.muli %scan3A_188, %mul3A_190 : i32
            %swap3A = arith.constant 25 : i32
            %swap3A_192 = arith.index_cast %swap3A : i32 to index
            %swap3A_193 = arith.index_cast %mul3A_191 : i32 to index
            %swap3A_194 = tpu.vector_load %arg6[%swap3A_192, %swap3A_193] {strides = array<i32>} : memref<64x768xf32, #tpu.memory_space<vmem>>, vector<16xf32>,
            tpu.vector_store %arg6[%swap3A_192, %swap3A_193], %broadcast_in_dim3A_189 {strides = array<i32>} : memref<64x768xf32, #tpu.memory_space<vmem>>, vector<16xf32>,
          }
          %scan3A_187 = arith.constant 48 : i32
        } else {
        }
        %slice3A_140 = vector.extract_strided_slice %get3A_27 {offsets = [10], sizes = [1], strides = [1]} : vector<16xi32> to vector<1xi32>
        %squeeze3A_141 = vector.extract %slice3A_140[0] : i32 from vector<1xi32>
        %eq3A_142 = arith.constant 0 : i32
        %eq3A_143 = arith.cmpi eq, %squeeze3A_141, %eq3A_142 : i32
        %convert_element_type3A_144 = arith.extui %eq3A_143 : i1 to i32
        %cond3A_145 = arith.constant 0 : i32
        %cond3A_146 = arith.cmpi ne, %convert_element_type3A_144, %cond3A_145 : i32
        scf.if %cond3A_146 {
          %scan3A_182 = arith.constant 0 : i32
          %scan3A_183 = arith.constant 0 : i32
          %scan3A_184 = arith.constant 48 : i32
          %scan3A_185 = arith.addi %scan3A_183, %scan3A_184 : i32
          %scan3A_186 = arith.constant 1 : i32
          scf.for %scan3A_188 = %scan3A_183 to %scan3A_185 step %scan3A_186  : i32 {
            %broadcast_in_dim3A = arith.constant 0.000000e+00 : f32
            %broadcast_in_dim3A_189 = vector.broadcast %broadcast_in_dim3A : f32 to vector<16xf32>
            %mul3A_190 = arith.constant 16 : i32
            %mul3A_191 = arith.muli %scan3A_188, %mul3A_190 : i32
            %swap3A = arith.constant 26 : i32
            %swap3A_192 = arith.index_cast %swap3A : i32 to index
            %swap3A_193 = arith.index_cast %mul3A_191 : i32 to index
            %swap3A_194 = tpu.vector_load %arg6[%swap3A_192, %swap3A_193] {strides = array<i32>} : memref<64x768xf32, #tpu.memory_space<vmem>>, vector<16xf32>,
            tpu.vector_store %arg6[%swap3A_192, %swap3A_193], %broadcast_in_dim3A_189 {strides = array<i32>} : memref<64x768xf32, #tpu.memory_space<vmem>>, vector<16xf32>,
          }
          %scan3A_187 = arith.constant 48 : i32
        } else {
        }
        %slice3A_147 = vector.extract_strided_slice %get3A_27 {offsets = [11], sizes = [1], strides = [1]} : vector<16xi32> to vector<1xi32>
        %squeeze3A_148 = vector.extract %slice3A_147[0] : i32 from vector<1xi32>
        %eq3A_149 = arith.constant 0 : i32
        %eq3A_150 = arith.cmpi eq, %squeeze3A_148, %eq3A_149 : i32
        %convert_element_type3A_151 = arith.extui %eq3A_150 : i1 to i32
        %cond3A_152 = arith.constant 0 : i32
        %cond3A_153 = arith.cmpi ne, %convert_element_type3A_151, %cond3A_152 : i32
        scf.if %cond3A_153 {
          %scan3A_182 = arith.constant 0 : i32
          %scan3A_183 = arith.constant 0 : i32
          %scan3A_184 = arith.constant 48 : i32
          %scan3A_185 = arith.addi %scan3A_183, %scan3A_184 : i32
          %scan3A_186 = arith.constant 1 : i32
          scf.for %scan3A_188 = %scan3A_183 to %scan3A_185 step %scan3A_186  : i32 {
            %broadcast_in_dim3A = arith.constant 0.000000e+00 : f32
            %broadcast_in_dim3A_189 = vector.broadcast %broadcast_in_dim3A : f32 to vector<16xf32>
            %mul3A_190 = arith.constant 16 : i32
            %mul3A_191 = arith.muli %scan3A_188, %mul3A_190 : i32
            %swap3A = arith.constant 27 : i32
            %swap3A_192 = arith.index_cast %swap3A : i32 to index
            %swap3A_193 = arith.index_cast %mul3A_191 : i32 to index
            %swap3A_194 = tpu.vector_load %arg6[%swap3A_192, %swap3A_193] {strides = array<i32>} : memref<64x768xf32, #tpu.memory_space<vmem>>, vector<16xf32>,
            tpu.vector_store %arg6[%swap3A_192, %swap3A_193], %broadcast_in_dim3A_189 {strides = array<i32>} : memref<64x768xf32, #tpu.memory_space<vmem>>, vector<16xf32>,
          }
          %scan3A_187 = arith.constant 48 : i32
        } else {
        }
        %slice3A_154 = vector.extract_strided_slice %get3A_27 {offsets = [12], sizes = [1], strides = [1]} : vector<16xi32> to vector<1xi32>
        %squeeze3A_155 = vector.extract %slice3A_154[0] : i32 from vector<1xi32>
        %eq3A_156 = arith.constant 0 : i32
        %eq3A_157 = arith.cmpi eq, %squeeze3A_155, %eq3A_156 : i32
        %convert_element_type3A_158 = arith.extui %eq3A_157 : i1 to i32
        %cond3A_159 = arith.constant 0 : i32
        %cond3A_160 = arith.cmpi ne, %convert_element_type3A_158, %cond3A_159 : i32
        scf.if %cond3A_160 {
          %scan3A_182 = arith.constant 0 : i32
          %scan3A_183 = arith.constant 0 : i32
          %scan3A_184 = arith.constant 48 : i32
          %scan3A_185 = arith.addi %scan3A_183, %scan3A_184 : i32
          %scan3A_186 = arith.constant 1 : i32
          scf.for %scan3A_188 = %scan3A_183 to %scan3A_185 step %scan3A_186  : i32 {
            %broadcast_in_dim3A = arith.constant 0.000000e+00 : f32
            %broadcast_in_dim3A_189 = vector.broadcast %broadcast_in_dim3A : f32 to vector<16xf32>
            %mul3A_190 = arith.constant 16 : i32
            %mul3A_191 = arith.muli %scan3A_188, %mul3A_190 : i32
            %swap3A = arith.constant 28 : i32
            %swap3A_192 = arith.index_cast %swap3A : i32 to index
            %swap3A_193 = arith.index_cast %mul3A_191 : i32 to index
            %swap3A_194 = tpu.vector_load %arg6[%swap3A_192, %swap3A_193] {strides = array<i32>} : memref<64x768xf32, #tpu.memory_space<vmem>>, vector<16xf32>,
            tpu.vector_store %arg6[%swap3A_192, %swap3A_193], %broadcast_in_dim3A_189 {strides = array<i32>} : memref<64x768xf32, #tpu.memory_space<vmem>>, vector<16xf32>,
          }
          %scan3A_187 = arith.constant 48 : i32
        } else {
        }
        %slice3A_161 = vector.extract_strided_slice %get3A_27 {offsets = [13], sizes = [1], strides = [1]} : vector<16xi32> to vector<1xi32>
        %squeeze3A_162 = vector.extract %slice3A_161[0] : i32 from vector<1xi32>
        %eq3A_163 = arith.constant 0 : i32
        %eq3A_164 = arith.cmpi eq, %squeeze3A_162, %eq3A_163 : i32
        %convert_element_type3A_165 = arith.extui %eq3A_164 : i1 to i32
        %cond3A_166 = arith.constant 0 : i32
        %cond3A_167 = arith.cmpi ne, %convert_element_type3A_165, %cond3A_166 : i32
        scf.if %cond3A_167 {
          %scan3A_182 = arith.constant 0 : i32
          %scan3A_183 = arith.constant 0 : i32
          %scan3A_184 = arith.constant 48 : i32
          %scan3A_185 = arith.addi %scan3A_183, %scan3A_184 : i32
          %scan3A_186 = arith.constant 1 : i32
          scf.for %scan3A_188 = %scan3A_183 to %scan3A_185 step %scan3A_186  : i32 {
            %broadcast_in_dim3A = arith.constant 0.000000e+00 : f32
            %broadcast_in_dim3A_189 = vector.broadcast %broadcast_in_dim3A : f32 to vector<16xf32>
            %mul3A_190 = arith.constant 16 : i32
            %mul3A_191 = arith.muli %scan3A_188, %mul3A_190 : i32
            %swap3A = arith.constant 29 : i32
            %swap3A_192 = arith.index_cast %swap3A : i32 to index
            %swap3A_193 = arith.index_cast %mul3A_191 : i32 to index
            %swap3A_194 = tpu.vector_load %arg6[%swap3A_192, %swap3A_193] {strides = array<i32>} : memref<64x768xf32, #tpu.memory_space<vmem>>, vector<16xf32>,
            tpu.vector_store %arg6[%swap3A_192, %swap3A_193], %broadcast_in_dim3A_189 {strides = array<i32>} : memref<64x768xf32, #tpu.memory_space<vmem>>, vector<16xf32>,
          }
          %scan3A_187 = arith.constant 48 : i32
        } else {
        }
        %slice3A_168 = vector.extract_strided_slice %get3A_27 {offsets = [14], sizes = [1], strides = [1]} : vector<16xi32> to vector<1xi32>
        %squeeze3A_169 = vector.extract %slice3A_168[0] : i32 from vector<1xi32>
        %eq3A_170 = arith.constant 0 : i32
        %eq3A_171 = arith.cmpi eq, %squeeze3A_169, %eq3A_170 : i32
        %convert_element_type3A_172 = arith.extui %eq3A_171 : i1 to i32
        %cond3A_173 = arith.constant 0 : i32
        %cond3A_174 = arith.cmpi ne, %convert_element_type3A_172, %cond3A_173 : i32
        scf.if %cond3A_174 {
          %scan3A_182 = arith.constant 0 : i32
          %scan3A_183 = arith.constant 0 : i32
          %scan3A_184 = arith.constant 48 : i32
          %scan3A_185 = arith.addi %scan3A_183, %scan3A_184 : i32
          %scan3A_186 = arith.constant 1 : i32
          scf.for %scan3A_188 = %scan3A_183 to %scan3A_185 step %scan3A_186  : i32 {
            %broadcast_in_dim3A = arith.constant 0.000000e+00 : f32
            %broadcast_in_dim3A_189 = vector.broadcast %broadcast_in_dim3A : f32 to vector<16xf32>
            %mul3A_190 = arith.constant 16 : i32
            %mul3A_191 = arith.muli %scan3A_188, %mul3A_190 : i32
            %swap3A = arith.constant 30 : i32
            %swap3A_192 = arith.index_cast %swap3A : i32 to index
            %swap3A_193 = arith.index_cast %mul3A_191 : i32 to index
            %swap3A_194 = tpu.vector_load %arg6[%swap3A_192, %swap3A_193] {strides = array<i32>} : memref<64x768xf32, #tpu.memory_space<vmem>>, vector<16xf32>,
            tpu.vector_store %arg6[%swap3A_192, %swap3A_193], %broadcast_in_dim3A_189 {strides = array<i32>} : memref<64x768xf32, #tpu.memory_space<vmem>>, vector<16xf32>,
          }
          %scan3A_187 = arith.constant 48 : i32
        } else {
        }
        %slice3A_175 = vector.extract_strided_slice %get3A_27 {offsets = [15], sizes = [1], strides = [1]} : vector<16xi32> to vector<1xi32>
        %squeeze3A_176 = vector.extract %slice3A_175[0] : i32 from vector<1xi32>
        %eq3A_177 = arith.constant 0 : i32
        %eq3A_178 = arith.cmpi eq, %squeeze3A_176, %eq3A_177 : i32
        %convert_element_type3A_179 = arith.extui %eq3A_178 : i1 to i32
        %cond3A_180 = arith.constant 0 : i32
        %cond3A_181 = arith.cmpi ne, %convert_element_type3A_179, %cond3A_180 : i32
        scf.if %cond3A_181 {
          %scan3A_182 = arith.constant 0 : i32
          %scan3A_183 = arith.constant 0 : i32
          %scan3A_184 = arith.constant 48 : i32
          %scan3A_185 = arith.addi %scan3A_183, %scan3A_184 : i32
          %scan3A_186 = arith.constant 1 : i32
          scf.for %scan3A_188 = %scan3A_183 to %scan3A_185 step %scan3A_186  : i32 {
            %broadcast_in_dim3A = arith.constant 0.000000e+00 : f32
            %broadcast_in_dim3A_189 = vector.broadcast %broadcast_in_dim3A : f32 to vector<16xf32>
            %mul3A_190 = arith.constant 16 : i32
            %mul3A_191 = arith.muli %scan3A_188, %mul3A_190 : i32
            %swap3A = arith.constant 31 : i32
            %swap3A_192 = arith.index_cast %swap3A : i32 to index
            %swap3A_193 = arith.index_cast %mul3A_191 : i32 to index
            %swap3A_194 = tpu.vector_load %arg6[%swap3A_192, %swap3A_193] {strides = array<i32>} : memref<64x768xf32, #tpu.memory_space<vmem>>, vector<16xf32>,
            tpu.vector_store %arg6[%swap3A_192, %swap3A_193], %broadcast_in_dim3A_189 {strides = array<i32>} : memref<64x768xf32, #tpu.memory_space<vmem>>, vector<16xf32>,
          }
          %scan3A_187 = arith.constant 48 : i32
        } else {
        }
      } else {
      }
      %add3A_39 = arith.constant 32 : i32
      %add3A_40 = arith.addi %mul3A_10, %add3A_39 : i32
      %get3A_41 = arith.index_cast %add3A_40 : i32 to index
      %get3A_42 = tpu.vector_load %arg5[%get3A_41] {strides = array<i32>} : memref<6400xi32, #tpu.memory_space<vmem>>, vector<16xi32>,
      %eq3A_43 = arith.constant 0 : i32
      %eq3A_44 = vector.broadcast %eq3A_43 : i32 to vector<16xi32>
      %eq3A_45 = arith.cmpi eq, %get3A_42, %eq3A_44 : vector<16xi32>
      %all_reduce_population_count3A_46 = tpu.all_reduce %eq3A_45 {dim = 0 : i64, kind = #tpu.reduction_kind<sum>} : vector<16xi1> -> vector<16xi32>
      %slice3A_47 = vector.extract_strided_slice %all_reduce_population_count3A_46 {offsets = [0], sizes = [1], strides = [1]} : vector<16xi32> to vector<1xi32>
      %squeeze3A_48 = vector.extract %slice3A_47[0] : i32 from vector<1xi32>
      %gt3A_49 = arith.constant 0 : i32
      %gt3A_50 = arith.cmpi sgt, %squeeze3A_48, %gt3A_49 : i32
      %convert_element_type3A_51 = arith.extui %gt3A_50 : i1 to i32
      %cond3A_52 = arith.constant 0 : i32
      %cond3A_53 = arith.cmpi ne, %convert_element_type3A_51, %cond3A_52 : i32
      scf.if %cond3A_53 {
        %slice3A_70 = vector.extract_strided_slice %get3A_42 {offsets = [0], sizes = [1], strides = [1]} : vector<16xi32> to vector<1xi32>
        %squeeze3A_71 = vector.extract %slice3A_70[0] : i32 from vector<1xi32>
        %eq3A_72 = arith.constant 0 : i32
        %eq3A_73 = arith.cmpi eq, %squeeze3A_71, %eq3A_72 : i32
        %convert_element_type3A_74 = arith.extui %eq3A_73 : i1 to i32
        %cond3A_75 = arith.constant 0 : i32
        %cond3A_76 = arith.cmpi ne, %convert_element_type3A_74, %cond3A_75 : i32
        scf.if %cond3A_76 {
          %scan3A_182 = arith.constant 0 : i32
          %scan3A_183 = arith.constant 0 : i32
          %scan3A_184 = arith.constant 48 : i32
          %scan3A_185 = arith.addi %scan3A_183, %scan3A_184 : i32
          %scan3A_186 = arith.constant 1 : i32
          scf.for %scan3A_188 = %scan3A_183 to %scan3A_185 step %scan3A_186  : i32 {
            %broadcast_in_dim3A = arith.constant 0.000000e+00 : f32
            %broadcast_in_dim3A_189 = vector.broadcast %broadcast_in_dim3A : f32 to vector<16xf32>
            %mul3A_190 = arith.constant 16 : i32
            %mul3A_191 = arith.muli %scan3A_188, %mul3A_190 : i32
            %swap3A = arith.constant 32 : i32
            %swap3A_192 = arith.index_cast %swap3A : i32 to index
            %swap3A_193 = arith.index_cast %mul3A_191 : i32 to index
            %swap3A_194 = tpu.vector_load %arg6[%swap3A_192, %swap3A_193] {strides = array<i32>} : memref<64x768xf32, #tpu.memory_space<vmem>>, vector<16xf32>,
            tpu.vector_store %arg6[%swap3A_192, %swap3A_193], %broadcast_in_dim3A_189 {strides = array<i32>} : memref<64x768xf32, #tpu.memory_space<vmem>>, vector<16xf32>,
          }
          %scan3A_187 = arith.constant 48 : i32
        } else {
        }
        %slice3A_77 = vector.extract_strided_slice %get3A_42 {offsets = [1], sizes = [1], strides = [1]} : vector<16xi32> to vector<1xi32>
        %squeeze3A_78 = vector.extract %slice3A_77[0] : i32 from vector<1xi32>
        %eq3A_79 = arith.constant 0 : i32
        %eq3A_80 = arith.cmpi eq, %squeeze3A_78, %eq3A_79 : i32
        %convert_element_type3A_81 = arith.extui %eq3A_80 : i1 to i32
        %cond3A_82 = arith.constant 0 : i32
        %cond3A_83 = arith.cmpi ne, %convert_element_type3A_81, %cond3A_82 : i32
        scf.if %cond3A_83 {
          %scan3A_182 = arith.constant 0 : i32
          %scan3A_183 = arith.constant 0 : i32
          %scan3A_184 = arith.constant 48 : i32
          %scan3A_185 = arith.addi %scan3A_183, %scan3A_184 : i32
          %scan3A_186 = arith.constant 1 : i32
          scf.for %scan3A_188 = %scan3A_183 to %scan3A_185 step %scan3A_186  : i32 {
            %broadcast_in_dim3A = arith.constant 0.000000e+00 : f32
            %broadcast_in_dim3A_189 = vector.broadcast %broadcast_in_dim3A : f32 to vector<16xf32>
            %mul3A_190 = arith.constant 16 : i32
            %mul3A_191 = arith.muli %scan3A_188, %mul3A_190 : i32
            %swap3A = arith.constant 33 : i32
            %swap3A_192 = arith.index_cast %swap3A : i32 to index
            %swap3A_193 = arith.index_cast %mul3A_191 : i32 to index
            %swap3A_194 = tpu.vector_load %arg6[%swap3A_192, %swap3A_193] {strides = array<i32>} : memref<64x768xf32, #tpu.memory_space<vmem>>, vector<16xf32>,
            tpu.vector_store %arg6[%swap3A_192, %swap3A_193], %broadcast_in_dim3A_189 {strides = array<i32>} : memref<64x768xf32, #tpu.memory_space<vmem>>, vector<16xf32>,
          }
          %scan3A_187 = arith.constant 48 : i32
        } else {
        }
        %slice3A_84 = vector.extract_strided_slice %get3A_42 {offsets = [2], sizes = [1], strides = [1]} : vector<16xi32> to vector<1xi32>
        %squeeze3A_85 = vector.extract %slice3A_84[0] : i32 from vector<1xi32>
        %eq3A_86 = arith.constant 0 : i32
        %eq3A_87 = arith.cmpi eq, %squeeze3A_85, %eq3A_86 : i32
        %convert_element_type3A_88 = arith.extui %eq3A_87 : i1 to i32
        %cond3A_89 = arith.constant 0 : i32
        %cond3A_90 = arith.cmpi ne, %convert_element_type3A_88, %cond3A_89 : i32
        scf.if %cond3A_90 {
          %scan3A_182 = arith.constant 0 : i32
          %scan3A_183 = arith.constant 0 : i32
          %scan3A_184 = arith.constant 48 : i32
          %scan3A_185 = arith.addi %scan3A_183, %scan3A_184 : i32
          %scan3A_186 = arith.constant 1 : i32
          scf.for %scan3A_188 = %scan3A_183 to %scan3A_185 step %scan3A_186  : i32 {
            %broadcast_in_dim3A = arith.constant 0.000000e+00 : f32
            %broadcast_in_dim3A_189 = vector.broadcast %broadcast_in_dim3A : f32 to vector<16xf32>
            %mul3A_190 = arith.constant 16 : i32
            %mul3A_191 = arith.muli %scan3A_188, %mul3A_190 : i32
            %swap3A = arith.constant 34 : i32
            %swap3A_192 = arith.index_cast %swap3A : i32 to index
            %swap3A_193 = arith.index_cast %mul3A_191 : i32 to index
            %swap3A_194 = tpu.vector_load %arg6[%swap3A_192, %swap3A_193] {strides = array<i32>} : memref<64x768xf32, #tpu.memory_space<vmem>>, vector<16xf32>,
            tpu.vector_store %arg6[%swap3A_192, %swap3A_193], %broadcast_in_dim3A_189 {strides = array<i32>} : memref<64x768xf32, #tpu.memory_space<vmem>>, vector<16xf32>,
          }
          %scan3A_187 = arith.constant 48 : i32
        } else {
        }
        %slice3A_91 = vector.extract_strided_slice %get3A_42 {offsets = [3], sizes = [1], strides = [1]} : vector<16xi32> to vector<1xi32>
        %squeeze3A_92 = vector.extract %slice3A_91[0] : i32 from vector<1xi32>
        %eq3A_93 = arith.constant 0 : i32
        %eq3A_94 = arith.cmpi eq, %squeeze3A_92, %eq3A_93 : i32
        %convert_element_type3A_95 = arith.extui %eq3A_94 : i1 to i32
        %cond3A_96 = arith.constant 0 : i32
        %cond3A_97 = arith.cmpi ne, %convert_element_type3A_95, %cond3A_96 : i32
        scf.if %cond3A_97 {
          %scan3A_182 = arith.constant 0 : i32
          %scan3A_183 = arith.constant 0 : i32
          %scan3A_184 = arith.constant 48 : i32
          %scan3A_185 = arith.addi %scan3A_183, %scan3A_184 : i32
          %scan3A_186 = arith.constant 1 : i32
          scf.for %scan3A_188 = %scan3A_183 to %scan3A_185 step %scan3A_186  : i32 {
            %broadcast_in_dim3A = arith.constant 0.000000e+00 : f32
            %broadcast_in_dim3A_189 = vector.broadcast %broadcast_in_dim3A : f32 to vector<16xf32>
            %mul3A_190 = arith.constant 16 : i32
            %mul3A_191 = arith.muli %scan3A_188, %mul3A_190 : i32
            %swap3A = arith.constant 35 : i32
            %swap3A_192 = arith.index_cast %swap3A : i32 to index
            %swap3A_193 = arith.index_cast %mul3A_191 : i32 to index
            %swap3A_194 = tpu.vector_load %arg6[%swap3A_192, %swap3A_193] {strides = array<i32>} : memref<64x768xf32, #tpu.memory_space<vmem>>, vector<16xf32>,
            tpu.vector_store %arg6[%swap3A_192, %swap3A_193], %broadcast_in_dim3A_189 {strides = array<i32>} : memref<64x768xf32, #tpu.memory_space<vmem>>, vector<16xf32>,
          }
          %scan3A_187 = arith.constant 48 : i32
        } else {
        }
        %slice3A_98 = vector.extract_strided_slice %get3A_42 {offsets = [4], sizes = [1], strides = [1]} : vector<16xi32> to vector<1xi32>
        %squeeze3A_99 = vector.extract %slice3A_98[0] : i32 from vector<1xi32>
        %eq3A_100 = arith.constant 0 : i32
        %eq3A_101 = arith.cmpi eq, %squeeze3A_99, %eq3A_100 : i32
        %convert_element_type3A_102 = arith.extui %eq3A_101 : i1 to i32
        %cond3A_103 = arith.constant 0 : i32
        %cond3A_104 = arith.cmpi ne, %convert_element_type3A_102, %cond3A_103 : i32
        scf.if %cond3A_104 {
          %scan3A_182 = arith.constant 0 : i32
          %scan3A_183 = arith.constant 0 : i32
          %scan3A_184 = arith.constant 48 : i32
          %scan3A_185 = arith.addi %scan3A_183, %scan3A_184 : i32
          %scan3A_186 = arith.constant 1 : i32
          scf.for %scan3A_188 = %scan3A_183 to %scan3A_185 step %scan3A_186  : i32 {
            %broadcast_in_dim3A = arith.constant 0.000000e+00 : f32
            %broadcast_in_dim3A_189 = vector.broadcast %broadcast_in_dim3A : f32 to vector<16xf32>
            %mul3A_190 = arith.constant 16 : i32
            %mul3A_191 = arith.muli %scan3A_188, %mul3A_190 : i32
            %swap3A = arith.constant 36 : i32
            %swap3A_192 = arith.index_cast %swap3A : i32 to index
            %swap3A_193 = arith.index_cast %mul3A_191 : i32 to index
            %swap3A_194 = tpu.vector_load %arg6[%swap3A_192, %swap3A_193] {strides = array<i32>} : memref<64x768xf32, #tpu.memory_space<vmem>>, vector<16xf32>,
            tpu.vector_store %arg6[%swap3A_192, %swap3A_193], %broadcast_in_dim3A_189 {strides = array<i32>} : memref<64x768xf32, #tpu.memory_space<vmem>>, vector<16xf32>,
          }
          %scan3A_187 = arith.constant 48 : i32
        } else {
        }
        %slice3A_105 = vector.extract_strided_slice %get3A_42 {offsets = [5], sizes = [1], strides = [1]} : vector<16xi32> to vector<1xi32>
        %squeeze3A_106 = vector.extract %slice3A_105[0] : i32 from vector<1xi32>
        %eq3A_107 = arith.constant 0 : i32
        %eq3A_108 = arith.cmpi eq, %squeeze3A_106, %eq3A_107 : i32
        %convert_element_type3A_109 = arith.extui %eq3A_108 : i1 to i32
        %cond3A_110 = arith.constant 0 : i32
        %cond3A_111 = arith.cmpi ne, %convert_element_type3A_109, %cond3A_110 : i32
        scf.if %cond3A_111 {
          %scan3A_182 = arith.constant 0 : i32
          %scan3A_183 = arith.constant 0 : i32
          %scan3A_184 = arith.constant 48 : i32
          %scan3A_185 = arith.addi %scan3A_183, %scan3A_184 : i32
          %scan3A_186 = arith.constant 1 : i32
          scf.for %scan3A_188 = %scan3A_183 to %scan3A_185 step %scan3A_186  : i32 {
            %broadcast_in_dim3A = arith.constant 0.000000e+00 : f32
            %broadcast_in_dim3A_189 = vector.broadcast %broadcast_in_dim3A : f32 to vector<16xf32>
            %mul3A_190 = arith.constant 16 : i32
            %mul3A_191 = arith.muli %scan3A_188, %mul3A_190 : i32
            %swap3A = arith.constant 37 : i32
            %swap3A_192 = arith.index_cast %swap3A : i32 to index
            %swap3A_193 = arith.index_cast %mul3A_191 : i32 to index
            %swap3A_194 = tpu.vector_load %arg6[%swap3A_192, %swap3A_193] {strides = array<i32>} : memref<64x768xf32, #tpu.memory_space<vmem>>, vector<16xf32>,
            tpu.vector_store %arg6[%swap3A_192, %swap3A_193], %broadcast_in_dim3A_189 {strides = array<i32>} : memref<64x768xf32, #tpu.memory_space<vmem>>, vector<16xf32>,
          }
          %scan3A_187 = arith.constant 48 : i32
        } else {
        }
        %slice3A_112 = vector.extract_strided_slice %get3A_42 {offsets = [6], sizes = [1], strides = [1]} : vector<16xi32> to vector<1xi32>
        %squeeze3A_113 = vector.extract %slice3A_112[0] : i32 from vector<1xi32>
        %eq3A_114 = arith.constant 0 : i32
        %eq3A_115 = arith.cmpi eq, %squeeze3A_113, %eq3A_114 : i32
        %convert_element_type3A_116 = arith.extui %eq3A_115 : i1 to i32
        %cond3A_117 = arith.constant 0 : i32
        %cond3A_118 = arith.cmpi ne, %convert_element_type3A_116, %cond3A_117 : i32
        scf.if %cond3A_118 {
          %scan3A_182 = arith.constant 0 : i32
          %scan3A_183 = arith.constant 0 : i32
          %scan3A_184 = arith.constant 48 : i32
          %scan3A_185 = arith.addi %scan3A_183, %scan3A_184 : i32
          %scan3A_186 = arith.constant 1 : i32
          scf.for %scan3A_188 = %scan3A_183 to %scan3A_185 step %scan3A_186  : i32 {
            %broadcast_in_dim3A = arith.constant 0.000000e+00 : f32
            %broadcast_in_dim3A_189 = vector.broadcast %broadcast_in_dim3A : f32 to vector<16xf32>
            %mul3A_190 = arith.constant 16 : i32
            %mul3A_191 = arith.muli %scan3A_188, %mul3A_190 : i32
            %swap3A = arith.constant 38 : i32
            %swap3A_192 = arith.index_cast %swap3A : i32 to index
            %swap3A_193 = arith.index_cast %mul3A_191 : i32 to index
            %swap3A_194 = tpu.vector_load %arg6[%swap3A_192, %swap3A_193] {strides = array<i32>} : memref<64x768xf32, #tpu.memory_space<vmem>>, vector<16xf32>,
            tpu.vector_store %arg6[%swap3A_192, %swap3A_193], %broadcast_in_dim3A_189 {strides = array<i32>} : memref<64x768xf32, #tpu.memory_space<vmem>>, vector<16xf32>,
          }
          %scan3A_187 = arith.constant 48 : i32
        } else {
        }
        %slice3A_119 = vector.extract_strided_slice %get3A_42 {offsets = [7], sizes = [1], strides = [1]} : vector<16xi32> to vector<1xi32>
        %squeeze3A_120 = vector.extract %slice3A_119[0] : i32 from vector<1xi32>
        %eq3A_121 = arith.constant 0 : i32
        %eq3A_122 = arith.cmpi eq, %squeeze3A_120, %eq3A_121 : i32
        %convert_element_type3A_123 = arith.extui %eq3A_122 : i1 to i32
        %cond3A_124 = arith.constant 0 : i32
        %cond3A_125 = arith.cmpi ne, %convert_element_type3A_123, %cond3A_124 : i32
        scf.if %cond3A_125 {
          %scan3A_182 = arith.constant 0 : i32
          %scan3A_183 = arith.constant 0 : i32
          %scan3A_184 = arith.constant 48 : i32
          %scan3A_185 = arith.addi %scan3A_183, %scan3A_184 : i32
          %scan3A_186 = arith.constant 1 : i32
          scf.for %scan3A_188 = %scan3A_183 to %scan3A_185 step %scan3A_186  : i32 {
            %broadcast_in_dim3A = arith.constant 0.000000e+00 : f32
            %broadcast_in_dim3A_189 = vector.broadcast %broadcast_in_dim3A : f32 to vector<16xf32>
            %mul3A_190 = arith.constant 16 : i32
            %mul3A_191 = arith.muli %scan3A_188, %mul3A_190 : i32
            %swap3A = arith.constant 39 : i32
            %swap3A_192 = arith.index_cast %swap3A : i32 to index
            %swap3A_193 = arith.index_cast %mul3A_191 : i32 to index
            %swap3A_194 = tpu.vector_load %arg6[%swap3A_192, %swap3A_193] {strides = array<i32>} : memref<64x768xf32, #tpu.memory_space<vmem>>, vector<16xf32>,
            tpu.vector_store %arg6[%swap3A_192, %swap3A_193], %broadcast_in_dim3A_189 {strides = array<i32>} : memref<64x768xf32, #tpu.memory_space<vmem>>, vector<16xf32>,
          }
          %scan3A_187 = arith.constant 48 : i32
        } else {
        }
        %slice3A_126 = vector.extract_strided_slice %get3A_42 {offsets = [8], sizes = [1], strides = [1]} : vector<16xi32> to vector<1xi32>
        %squeeze3A_127 = vector.extract %slice3A_126[0] : i32 from vector<1xi32>
        %eq3A_128 = arith.constant 0 : i32
        %eq3A_129 = arith.cmpi eq, %squeeze3A_127, %eq3A_128 : i32
        %convert_element_type3A_130 = arith.extui %eq3A_129 : i1 to i32
        %cond3A_131 = arith.constant 0 : i32
        %cond3A_132 = arith.cmpi ne, %convert_element_type3A_130, %cond3A_131 : i32
        scf.if %cond3A_132 {
          %scan3A_182 = arith.constant 0 : i32
          %scan3A_183 = arith.constant 0 : i32
          %scan3A_184 = arith.constant 48 : i32
          %scan3A_185 = arith.addi %scan3A_183, %scan3A_184 : i32
          %scan3A_186 = arith.constant 1 : i32
          scf.for %scan3A_188 = %scan3A_183 to %scan3A_185 step %scan3A_186  : i32 {
            %broadcast_in_dim3A = arith.constant 0.000000e+00 : f32
            %broadcast_in_dim3A_189 = vector.broadcast %broadcast_in_dim3A : f32 to vector<16xf32>
            %mul3A_190 = arith.constant 16 : i32
            %mul3A_191 = arith.muli %scan3A_188, %mul3A_190 : i32
            %swap3A = arith.constant 40 : i32
            %swap3A_192 = arith.index_cast %swap3A : i32 to index
            %swap3A_193 = arith.index_cast %mul3A_191 : i32 to index
            %swap3A_194 = tpu.vector_load %arg6[%swap3A_192, %swap3A_193] {strides = array<i32>} : memref<64x768xf32, #tpu.memory_space<vmem>>, vector<16xf32>,
            tpu.vector_store %arg6[%swap3A_192, %swap3A_193], %broadcast_in_dim3A_189 {strides = array<i32>} : memref<64x768xf32, #tpu.memory_space<vmem>>, vector<16xf32>,
          }
          %scan3A_187 = arith.constant 48 : i32
        } else {
        }
        %slice3A_133 = vector.extract_strided_slice %get3A_42 {offsets = [9], sizes = [1], strides = [1]} : vector<16xi32> to vector<1xi32>
        %squeeze3A_134 = vector.extract %slice3A_133[0] : i32 from vector<1xi32>
        %eq3A_135 = arith.constant 0 : i32
        %eq3A_136 = arith.cmpi eq, %squeeze3A_134, %eq3A_135 : i32
        %convert_element_type3A_137 = arith.extui %eq3A_136 : i1 to i32
        %cond3A_138 = arith.constant 0 : i32
        %cond3A_139 = arith.cmpi ne, %convert_element_type3A_137, %cond3A_138 : i32
        scf.if %cond3A_139 {
          %scan3A_182 = arith.constant 0 : i32
          %scan3A_183 = arith.constant 0 : i32
          %scan3A_184 = arith.constant 48 : i32
          %scan3A_185 = arith.addi %scan3A_183, %scan3A_184 : i32
          %scan3A_186 = arith.constant 1 : i32
          scf.for %scan3A_188 = %scan3A_183 to %scan3A_185 step %scan3A_186  : i32 {
            %broadcast_in_dim3A = arith.constant 0.000000e+00 : f32
            %broadcast_in_dim3A_189 = vector.broadcast %broadcast_in_dim3A : f32 to vector<16xf32>
            %mul3A_190 = arith.constant 16 : i32
            %mul3A_191 = arith.muli %scan3A_188, %mul3A_190 : i32
            %swap3A = arith.constant 41 : i32
            %swap3A_192 = arith.index_cast %swap3A : i32 to index
            %swap3A_193 = arith.index_cast %mul3A_191 : i32 to index
            %swap3A_194 = tpu.vector_load %arg6[%swap3A_192, %swap3A_193] {strides = array<i32>} : memref<64x768xf32, #tpu.memory_space<vmem>>, vector<16xf32>,
            tpu.vector_store %arg6[%swap3A_192, %swap3A_193], %broadcast_in_dim3A_189 {strides = array<i32>} : memref<64x768xf32, #tpu.memory_space<vmem>>, vector<16xf32>,
          }
          %scan3A_187 = arith.constant 48 : i32
        } else {
        }
        %slice3A_140 = vector.extract_strided_slice %get3A_42 {offsets = [10], sizes = [1], strides = [1]} : vector<16xi32> to vector<1xi32>
        %squeeze3A_141 = vector.extract %slice3A_140[0] : i32 from vector<1xi32>
        %eq3A_142 = arith.constant 0 : i32
        %eq3A_143 = arith.cmpi eq, %squeeze3A_141, %eq3A_142 : i32
        %convert_element_type3A_144 = arith.extui %eq3A_143 : i1 to i32
        %cond3A_145 = arith.constant 0 : i32
        %cond3A_146 = arith.cmpi ne, %convert_element_type3A_144, %cond3A_145 : i32
        scf.if %cond3A_146 {
          %scan3A_182 = arith.constant 0 : i32
          %scan3A_183 = arith.constant 0 : i32
          %scan3A_184 = arith.constant 48 : i32
          %scan3A_185 = arith.addi %scan3A_183, %scan3A_184 : i32
          %scan3A_186 = arith.constant 1 : i32
          scf.for %scan3A_188 = %scan3A_183 to %scan3A_185 step %scan3A_186  : i32 {
            %broadcast_in_dim3A = arith.constant 0.000000e+00 : f32
            %broadcast_in_dim3A_189 = vector.broadcast %broadcast_in_dim3A : f32 to vector<16xf32>
            %mul3A_190 = arith.constant 16 : i32
            %mul3A_191 = arith.muli %scan3A_188, %mul3A_190 : i32
            %swap3A = arith.constant 42 : i32
            %swap3A_192 = arith.index_cast %swap3A : i32 to index
            %swap3A_193 = arith.index_cast %mul3A_191 : i32 to index
            %swap3A_194 = tpu.vector_load %arg6[%swap3A_192, %swap3A_193] {strides = array<i32>} : memref<64x768xf32, #tpu.memory_space<vmem>>, vector<16xf32>,
            tpu.vector_store %arg6[%swap3A_192, %swap3A_193], %broadcast_in_dim3A_189 {strides = array<i32>} : memref<64x768xf32, #tpu.memory_space<vmem>>, vector<16xf32>,
          }
          %scan3A_187 = arith.constant 48 : i32
        } else {
        }
        %slice3A_147 = vector.extract_strided_slice %get3A_42 {offsets = [11], sizes = [1], strides = [1]} : vector<16xi32> to vector<1xi32>
        %squeeze3A_148 = vector.extract %slice3A_147[0] : i32 from vector<1xi32>
        %eq3A_149 = arith.constant 0 : i32
        %eq3A_150 = arith.cmpi eq, %squeeze3A_148, %eq3A_149 : i32
        %convert_element_type3A_151 = arith.extui %eq3A_150 : i1 to i32
        %cond3A_152 = arith.constant 0 : i32
        %cond3A_153 = arith.cmpi ne, %convert_element_type3A_151, %cond3A_152 : i32
        scf.if %cond3A_153 {
          %scan3A_182 = arith.constant 0 : i32
          %scan3A_183 = arith.constant 0 : i32
          %scan3A_184 = arith.constant 48 : i32
          %scan3A_185 = arith.addi %scan3A_183, %scan3A_184 : i32
          %scan3A_186 = arith.constant 1 : i32
          scf.for %scan3A_188 = %scan3A_183 to %scan3A_185 step %scan3A_186  : i32 {
            %broadcast_in_dim3A = arith.constant 0.000000e+00 : f32
            %broadcast_in_dim3A_189 = vector.broadcast %broadcast_in_dim3A : f32 to vector<16xf32>
            %mul3A_190 = arith.constant 16 : i32
            %mul3A_191 = arith.muli %scan3A_188, %mul3A_190 : i32
            %swap3A = arith.constant 43 : i32
            %swap3A_192 = arith.index_cast %swap3A : i32 to index
            %swap3A_193 = arith.index_cast %mul3A_191 : i32 to index
            %swap3A_194 = tpu.vector_load %arg6[%swap3A_192, %swap3A_193] {strides = array<i32>} : memref<64x768xf32, #tpu.memory_space<vmem>>, vector<16xf32>,
            tpu.vector_store %arg6[%swap3A_192, %swap3A_193], %broadcast_in_dim3A_189 {strides = array<i32>} : memref<64x768xf32, #tpu.memory_space<vmem>>, vector<16xf32>,
          }
          %scan3A_187 = arith.constant 48 : i32
        } else {
        }
        %slice3A_154 = vector.extract_strided_slice %get3A_42 {offsets = [12], sizes = [1], strides = [1]} : vector<16xi32> to vector<1xi32>
        %squeeze3A_155 = vector.extract %slice3A_154[0] : i32 from vector<1xi32>
        %eq3A_156 = arith.constant 0 : i32
        %eq3A_157 = arith.cmpi eq, %squeeze3A_155, %eq3A_156 : i32
        %convert_element_type3A_158 = arith.extui %eq3A_157 : i1 to i32
        %cond3A_159 = arith.constant 0 : i32
        %cond3A_160 = arith.cmpi ne, %convert_element_type3A_158, %cond3A_159 : i32
        scf.if %cond3A_160 {
          %scan3A_182 = arith.constant 0 : i32
          %scan3A_183 = arith.constant 0 : i32
          %scan3A_184 = arith.constant 48 : i32
          %scan3A_185 = arith.addi %scan3A_183, %scan3A_184 : i32
          %scan3A_186 = arith.constant 1 : i32
          scf.for %scan3A_188 = %scan3A_183 to %scan3A_185 step %scan3A_186  : i32 {
            %broadcast_in_dim3A = arith.constant 0.000000e+00 : f32
            %broadcast_in_dim3A_189 = vector.broadcast %broadcast_in_dim3A : f32 to vector<16xf32>
            %mul3A_190 = arith.constant 16 : i32
            %mul3A_191 = arith.muli %scan3A_188, %mul3A_190 : i32
            %swap3A = arith.constant 44 : i32
            %swap3A_192 = arith.index_cast %swap3A : i32 to index
            %swap3A_193 = arith.index_cast %mul3A_191 : i32 to index
            %swap3A_194 = tpu.vector_load %arg6[%swap3A_192, %swap3A_193] {strides = array<i32>} : memref<64x768xf32, #tpu.memory_space<vmem>>, vector<16xf32>,
            tpu.vector_store %arg6[%swap3A_192, %swap3A_193], %broadcast_in_dim3A_189 {strides = array<i32>} : memref<64x768xf32, #tpu.memory_space<vmem>>, vector<16xf32>,
          }
          %scan3A_187 = arith.constant 48 : i32
        } else {
        }
        %slice3A_161 = vector.extract_strided_slice %get3A_42 {offsets = [13], sizes = [1], strides = [1]} : vector<16xi32> to vector<1xi32>
        %squeeze3A_162 = vector.extract %slice3A_161[0] : i32 from vector<1xi32>
        %eq3A_163 = arith.constant 0 : i32
        %eq3A_164 = arith.cmpi eq, %squeeze3A_162, %eq3A_163 : i32
        %convert_element_type3A_165 = arith.extui %eq3A_164 : i1 to i32
        %cond3A_166 = arith.constant 0 : i32
        %cond3A_167 = arith.cmpi ne, %convert_element_type3A_165, %cond3A_166 : i32
        scf.if %cond3A_167 {
          %scan3A_182 = arith.constant 0 : i32
          %scan3A_183 = arith.constant 0 : i32
          %scan3A_184 = arith.constant 48 : i32
          %scan3A_185 = arith.addi %scan3A_183, %scan3A_184 : i32
          %scan3A_186 = arith.constant 1 : i32
          scf.for %scan3A_188 = %scan3A_183 to %scan3A_185 step %scan3A_186  : i32 {
            %broadcast_in_dim3A = arith.constant 0.000000e+00 : f32
            %broadcast_in_dim3A_189 = vector.broadcast %broadcast_in_dim3A : f32 to vector<16xf32>
            %mul3A_190 = arith.constant 16 : i32
            %mul3A_191 = arith.muli %scan3A_188, %mul3A_190 : i32
            %swap3A = arith.constant 45 : i32
            %swap3A_192 = arith.index_cast %swap3A : i32 to index
            %swap3A_193 = arith.index_cast %mul3A_191 : i32 to index
            %swap3A_194 = tpu.vector_load %arg6[%swap3A_192, %swap3A_193] {strides = array<i32>} : memref<64x768xf32, #tpu.memory_space<vmem>>, vector<16xf32>,
            tpu.vector_store %arg6[%swap3A_192, %swap3A_193], %broadcast_in_dim3A_189 {strides = array<i32>} : memref<64x768xf32, #tpu.memory_space<vmem>>, vector<16xf32>,
          }
          %scan3A_187 = arith.constant 48 : i32
        } else {
        }
        %slice3A_168 = vector.extract_strided_slice %get3A_42 {offsets = [14], sizes = [1], strides = [1]} : vector<16xi32> to vector<1xi32>
        %squeeze3A_169 = vector.extract %slice3A_168[0] : i32 from vector<1xi32>
        %eq3A_170 = arith.constant 0 : i32
        %eq3A_171 = arith.cmpi eq, %squeeze3A_169, %eq3A_170 : i32
        %convert_element_type3A_172 = arith.extui %eq3A_171 : i1 to i32
        %cond3A_173 = arith.constant 0 : i32
        %cond3A_174 = arith.cmpi ne, %convert_element_type3A_172, %cond3A_173 : i32
        scf.if %cond3A_174 {
          %scan3A_182 = arith.constant 0 : i32
          %scan3A_183 = arith.constant 0 : i32
          %scan3A_184 = arith.constant 48 : i32
          %scan3A_185 = arith.addi %scan3A_183, %scan3A_184 : i32
          %scan3A_186 = arith.constant 1 : i32
          scf.for %scan3A_188 = %scan3A_183 to %scan3A_185 step %scan3A_186  : i32 {
            %broadcast_in_dim3A = arith.constant 0.000000e+00 : f32
            %broadcast_in_dim3A_189 = vector.broadcast %broadcast_in_dim3A : f32 to vector<16xf32>
            %mul3A_190 = arith.constant 16 : i32
            %mul3A_191 = arith.muli %scan3A_188, %mul3A_190 : i32
            %swap3A = arith.constant 46 : i32
            %swap3A_192 = arith.index_cast %swap3A : i32 to index
            %swap3A_193 = arith.index_cast %mul3A_191 : i32 to index
            %swap3A_194 = tpu.vector_load %arg6[%swap3A_192, %swap3A_193] {strides = array<i32>} : memref<64x768xf32, #tpu.memory_space<vmem>>, vector<16xf32>,
            tpu.vector_store %arg6[%swap3A_192, %swap3A_193], %broadcast_in_dim3A_189 {strides = array<i32>} : memref<64x768xf32, #tpu.memory_space<vmem>>, vector<16xf32>,
          }
          %scan3A_187 = arith.constant 48 : i32
        } else {
        }
        %slice3A_175 = vector.extract_strided_slice %get3A_42 {offsets = [15], sizes = [1], strides = [1]} : vector<16xi32> to vector<1xi32>
        %squeeze3A_176 = vector.extract %slice3A_175[0] : i32 from vector<1xi32>
        %eq3A_177 = arith.constant 0 : i32
        %eq3A_178 = arith.cmpi eq, %squeeze3A_176, %eq3A_177 : i32
        %convert_element_type3A_179 = arith.extui %eq3A_178 : i1 to i32
        %cond3A_180 = arith.constant 0 : i32
        %cond3A_181 = arith.cmpi ne, %convert_element_type3A_179, %cond3A_180 : i32
        scf.if %cond3A_181 {
          %scan3A_182 = arith.constant 0 : i32
          %scan3A_183 = arith.constant 0 : i32
          %scan3A_184 = arith.constant 48 : i32
          %scan3A_185 = arith.addi %scan3A_183, %scan3A_184 : i32
          %scan3A_186 = arith.constant 1 : i32
          scf.for %scan3A_188 = %scan3A_183 to %scan3A_185 step %scan3A_186  : i32 {
            %broadcast_in_dim3A = arith.constant 0.000000e+00 : f32
            %broadcast_in_dim3A_189 = vector.broadcast %broadcast_in_dim3A : f32 to vector<16xf32>
            %mul3A_190 = arith.constant 16 : i32
            %mul3A_191 = arith.muli %scan3A_188, %mul3A_190 : i32
            %swap3A = arith.constant 47 : i32
            %swap3A_192 = arith.index_cast %swap3A : i32 to index
            %swap3A_193 = arith.index_cast %mul3A_191 : i32 to index
            %swap3A_194 = tpu.vector_load %arg6[%swap3A_192, %swap3A_193] {strides = array<i32>} : memref<64x768xf32, #tpu.memory_space<vmem>>, vector<16xf32>,
            tpu.vector_store %arg6[%swap3A_192, %swap3A_193], %broadcast_in_dim3A_189 {strides = array<i32>} : memref<64x768xf32, #tpu.memory_space<vmem>>, vector<16xf32>,
          }
          %scan3A_187 = arith.constant 48 : i32
        } else {
        }
      } else {
      }
      %add3A_54 = arith.constant 48 : i32
      %add3A_55 = arith.addi %mul3A_10, %add3A_54 : i32
      %get3A_56 = arith.index_cast %add3A_55 : i32 to index
      %get3A_57 = tpu.vector_load %arg5[%get3A_56] {strides = array<i32>} : memref<6400xi32, #tpu.memory_space<vmem>>, vector<16xi32>,
      %eq3A_58 = arith.constant 0 : i32
      %eq3A_59 = vector.broadcast %eq3A_58 : i32 to vector<16xi32>
      %eq3A_60 = arith.cmpi eq, %get3A_57, %eq3A_59 : vector<16xi32>
      %all_reduce_population_count3A_61 = tpu.all_reduce %eq3A_60 {dim = 0 : i64, kind = #tpu.reduction_kind<sum>} : vector<16xi1> -> vector<16xi32>
      %slice3A_62 = vector.extract_strided_slice %all_reduce_population_count3A_61 {offsets = [0], sizes = [1], strides = [1]} : vector<16xi32> to vector<1xi32>
      %squeeze3A_63 = vector.extract %slice3A_62[0] : i32 from vector<1xi32>
      %gt3A_64 = arith.constant 0 : i32
      %gt3A_65 = arith.cmpi sgt, %squeeze3A_63, %gt3A_64 : i32
      %convert_element_type3A_66 = arith.extui %gt3A_65 : i1 to i32
      %cond3A_67 = arith.constant 0 : i32
      %cond3A_68 = arith.cmpi ne, %convert_element_type3A_66, %cond3A_67 : i32
      scf.if %cond3A_68 {
        %slice3A_70 = vector.extract_strided_slice %get3A_57 {offsets = [0], sizes = [1], strides = [1]} : vector<16xi32> to vector<1xi32>
        %squeeze3A_71 = vector.extract %slice3A_70[0] : i32 from vector<1xi32>
        %eq3A_72 = arith.constant 0 : i32
        %eq3A_73 = arith.cmpi eq, %squeeze3A_71, %eq3A_72 : i32
        %convert_element_type3A_74 = arith.extui %eq3A_73 : i1 to i32
        %cond3A_75 = arith.constant 0 : i32
        %cond3A_76 = arith.cmpi ne, %convert_element_type3A_74, %cond3A_75 : i32
        scf.if %cond3A_76 {
          %scan3A_182 = arith.constant 0 : i32
          %scan3A_183 = arith.constant 0 : i32
          %scan3A_184 = arith.constant 48 : i32
          %scan3A_185 = arith.addi %scan3A_183, %scan3A_184 : i32
          %scan3A_186 = arith.constant 1 : i32
          scf.for %scan3A_188 = %scan3A_183 to %scan3A_185 step %scan3A_186  : i32 {
            %broadcast_in_dim3A = arith.constant 0.000000e+00 : f32
            %broadcast_in_dim3A_189 = vector.broadcast %broadcast_in_dim3A : f32 to vector<16xf32>
            %mul3A_190 = arith.constant 16 : i32
            %mul3A_191 = arith.muli %scan3A_188, %mul3A_190 : i32
            %swap3A = arith.constant 48 : i32
            %swap3A_192 = arith.index_cast %swap3A : i32 to index
            %swap3A_193 = arith.index_cast %mul3A_191 : i32 to index
            %swap3A_194 = tpu.vector_load %arg6[%swap3A_192, %swap3A_193] {strides = array<i32>} : memref<64x768xf32, #tpu.memory_space<vmem>>, vector<16xf32>,
            tpu.vector_store %arg6[%swap3A_192, %swap3A_193], %broadcast_in_dim3A_189 {strides = array<i32>} : memref<64x768xf32, #tpu.memory_space<vmem>>, vector<16xf32>,
          }
          %scan3A_187 = arith.constant 48 : i32
        } else {
        }
        %slice3A_77 = vector.extract_strided_slice %get3A_57 {offsets = [1], sizes = [1], strides = [1]} : vector<16xi32> to vector<1xi32>
        %squeeze3A_78 = vector.extract %slice3A_77[0] : i32 from vector<1xi32>
        %eq3A_79 = arith.constant 0 : i32
        %eq3A_80 = arith.cmpi eq, %squeeze3A_78, %eq3A_79 : i32
        %convert_element_type3A_81 = arith.extui %eq3A_80 : i1 to i32
        %cond3A_82 = arith.constant 0 : i32
        %cond3A_83 = arith.cmpi ne, %convert_element_type3A_81, %cond3A_82 : i32
        scf.if %cond3A_83 {
          %scan3A_182 = arith.constant 0 : i32
          %scan3A_183 = arith.constant 0 : i32
          %scan3A_184 = arith.constant 48 : i32
          %scan3A_185 = arith.addi %scan3A_183, %scan3A_184 : i32
          %scan3A_186 = arith.constant 1 : i32
          scf.for %scan3A_188 = %scan3A_183 to %scan3A_185 step %scan3A_186  : i32 {
            %broadcast_in_dim3A = arith.constant 0.000000e+00 : f32
            %broadcast_in_dim3A_189 = vector.broadcast %broadcast_in_dim3A : f32 to vector<16xf32>
            %mul3A_190 = arith.constant 16 : i32
            %mul3A_191 = arith.muli %scan3A_188, %mul3A_190 : i32
            %swap3A = arith.constant 49 : i32
            %swap3A_192 = arith.index_cast %swap3A : i32 to index
            %swap3A_193 = arith.index_cast %mul3A_191 : i32 to index
            %swap3A_194 = tpu.vector_load %arg6[%swap3A_192, %swap3A_193] {strides = array<i32>} : memref<64x768xf32, #tpu.memory_space<vmem>>, vector<16xf32>,
            tpu.vector_store %arg6[%swap3A_192, %swap3A_193], %broadcast_in_dim3A_189 {strides = array<i32>} : memref<64x768xf32, #tpu.memory_space<vmem>>, vector<16xf32>,
          }
          %scan3A_187 = arith.constant 48 : i32
        } else {
        }
        %slice3A_84 = vector.extract_strided_slice %get3A_57 {offsets = [2], sizes = [1], strides = [1]} : vector<16xi32> to vector<1xi32>
        %squeeze3A_85 = vector.extract %slice3A_84[0] : i32 from vector<1xi32>
        %eq3A_86 = arith.constant 0 : i32
        %eq3A_87 = arith.cmpi eq, %squeeze3A_85, %eq3A_86 : i32
        %convert_element_type3A_88 = arith.extui %eq3A_87 : i1 to i32
        %cond3A_89 = arith.constant 0 : i32
        %cond3A_90 = arith.cmpi ne, %convert_element_type3A_88, %cond3A_89 : i32
        scf.if %cond3A_90 {
          %scan3A_182 = arith.constant 0 : i32
          %scan3A_183 = arith.constant 0 : i32
          %scan3A_184 = arith.constant 48 : i32
          %scan3A_185 = arith.addi %scan3A_183, %scan3A_184 : i32
          %scan3A_186 = arith.constant 1 : i32
          scf.for %scan3A_188 = %scan3A_183 to %scan3A_185 step %scan3A_186  : i32 {
            %broadcast_in_dim3A = arith.constant 0.000000e+00 : f32
            %broadcast_in_dim3A_189 = vector.broadcast %broadcast_in_dim3A : f32 to vector<16xf32>
            %mul3A_190 = arith.constant 16 : i32
            %mul3A_191 = arith.muli %scan3A_188, %mul3A_190 : i32
            %swap3A = arith.constant 50 : i32
            %swap3A_192 = arith.index_cast %swap3A : i32 to index
            %swap3A_193 = arith.index_cast %mul3A_191 : i32 to index
            %swap3A_194 = tpu.vector_load %arg6[%swap3A_192, %swap3A_193] {strides = array<i32>} : memref<64x768xf32, #tpu.memory_space<vmem>>, vector<16xf32>,
            tpu.vector_store %arg6[%swap3A_192, %swap3A_193], %broadcast_in_dim3A_189 {strides = array<i32>} : memref<64x768xf32, #tpu.memory_space<vmem>>, vector<16xf32>,
          }
          %scan3A_187 = arith.constant 48 : i32
        } else {
        }
        %slice3A_91 = vector.extract_strided_slice %get3A_57 {offsets = [3], sizes = [1], strides = [1]} : vector<16xi32> to vector<1xi32>
        %squeeze3A_92 = vector.extract %slice3A_91[0] : i32 from vector<1xi32>
        %eq3A_93 = arith.constant 0 : i32
        %eq3A_94 = arith.cmpi eq, %squeeze3A_92, %eq3A_93 : i32
        %convert_element_type3A_95 = arith.extui %eq3A_94 : i1 to i32
        %cond3A_96 = arith.constant 0 : i32
        %cond3A_97 = arith.cmpi ne, %convert_element_type3A_95, %cond3A_96 : i32
        scf.if %cond3A_97 {
          %scan3A_182 = arith.constant 0 : i32
          %scan3A_183 = arith.constant 0 : i32
          %scan3A_184 = arith.constant 48 : i32
          %scan3A_185 = arith.addi %scan3A_183, %scan3A_184 : i32
          %scan3A_186 = arith.constant 1 : i32
          scf.for %scan3A_188 = %scan3A_183 to %scan3A_185 step %scan3A_186  : i32 {
            %broadcast_in_dim3A = arith.constant 0.000000e+00 : f32
            %broadcast_in_dim3A_189 = vector.broadcast %broadcast_in_dim3A : f32 to vector<16xf32>
            %mul3A_190 = arith.constant 16 : i32
            %mul3A_191 = arith.muli %scan3A_188, %mul3A_190 : i32
            %swap3A = arith.constant 51 : i32
            %swap3A_192 = arith.index_cast %swap3A : i32 to index
            %swap3A_193 = arith.index_cast %mul3A_191 : i32 to index
            %swap3A_194 = tpu.vector_load %arg6[%swap3A_192, %swap3A_193] {strides = array<i32>} : memref<64x768xf32, #tpu.memory_space<vmem>>, vector<16xf32>,
            tpu.vector_store %arg6[%swap3A_192, %swap3A_193], %broadcast_in_dim3A_189 {strides = array<i32>} : memref<64x768xf32, #tpu.memory_space<vmem>>, vector<16xf32>,
          }
          %scan3A_187 = arith.constant 48 : i32
        } else {
        }
        %slice3A_98 = vector.extract_strided_slice %get3A_57 {offsets = [4], sizes = [1], strides = [1]} : vector<16xi32> to vector<1xi32>
        %squeeze3A_99 = vector.extract %slice3A_98[0] : i32 from vector<1xi32>
        %eq3A_100 = arith.constant 0 : i32
        %eq3A_101 = arith.cmpi eq, %squeeze3A_99, %eq3A_100 : i32
        %convert_element_type3A_102 = arith.extui %eq3A_101 : i1 to i32
        %cond3A_103 = arith.constant 0 : i32
        %cond3A_104 = arith.cmpi ne, %convert_element_type3A_102, %cond3A_103 : i32
        scf.if %cond3A_104 {
          %scan3A_182 = arith.constant 0 : i32
          %scan3A_183 = arith.constant 0 : i32
          %scan3A_184 = arith.constant 48 : i32
          %scan3A_185 = arith.addi %scan3A_183, %scan3A_184 : i32
          %scan3A_186 = arith.constant 1 : i32
          scf.for %scan3A_188 = %scan3A_183 to %scan3A_185 step %scan3A_186  : i32 {
            %broadcast_in_dim3A = arith.constant 0.000000e+00 : f32
            %broadcast_in_dim3A_189 = vector.broadcast %broadcast_in_dim3A : f32 to vector<16xf32>
            %mul3A_190 = arith.constant 16 : i32
            %mul3A_191 = arith.muli %scan3A_188, %mul3A_190 : i32
            %swap3A = arith.constant 52 : i32
            %swap3A_192 = arith.index_cast %swap3A : i32 to index
            %swap3A_193 = arith.index_cast %mul3A_191 : i32 to index
            %swap3A_194 = tpu.vector_load %arg6[%swap3A_192, %swap3A_193] {strides = array<i32>} : memref<64x768xf32, #tpu.memory_space<vmem>>, vector<16xf32>,
            tpu.vector_store %arg6[%swap3A_192, %swap3A_193], %broadcast_in_dim3A_189 {strides = array<i32>} : memref<64x768xf32, #tpu.memory_space<vmem>>, vector<16xf32>,
          }
          %scan3A_187 = arith.constant 48 : i32
        } else {
        }
        %slice3A_105 = vector.extract_strided_slice %get3A_57 {offsets = [5], sizes = [1], strides = [1]} : vector<16xi32> to vector<1xi32>
        %squeeze3A_106 = vector.extract %slice3A_105[0] : i32 from vector<1xi32>
        %eq3A_107 = arith.constant 0 : i32
        %eq3A_108 = arith.cmpi eq, %squeeze3A_106, %eq3A_107 : i32
        %convert_element_type3A_109 = arith.extui %eq3A_108 : i1 to i32
        %cond3A_110 = arith.constant 0 : i32
        %cond3A_111 = arith.cmpi ne, %convert_element_type3A_109, %cond3A_110 : i32
        scf.if %cond3A_111 {
          %scan3A_182 = arith.constant 0 : i32
          %scan3A_183 = arith.constant 0 : i32
          %scan3A_184 = arith.constant 48 : i32
          %scan3A_185 = arith.addi %scan3A_183, %scan3A_184 : i32
          %scan3A_186 = arith.constant 1 : i32
          scf.for %scan3A_188 = %scan3A_183 to %scan3A_185 step %scan3A_186  : i32 {
            %broadcast_in_dim3A = arith.constant 0.000000e+00 : f32
            %broadcast_in_dim3A_189 = vector.broadcast %broadcast_in_dim3A : f32 to vector<16xf32>
            %mul3A_190 = arith.constant 16 : i32
            %mul3A_191 = arith.muli %scan3A_188, %mul3A_190 : i32
            %swap3A = arith.constant 53 : i32
            %swap3A_192 = arith.index_cast %swap3A : i32 to index
            %swap3A_193 = arith.index_cast %mul3A_191 : i32 to index
            %swap3A_194 = tpu.vector_load %arg6[%swap3A_192, %swap3A_193] {strides = array<i32>} : memref<64x768xf32, #tpu.memory_space<vmem>>, vector<16xf32>,
            tpu.vector_store %arg6[%swap3A_192, %swap3A_193], %broadcast_in_dim3A_189 {strides = array<i32>} : memref<64x768xf32, #tpu.memory_space<vmem>>, vector<16xf32>,
          }
          %scan3A_187 = arith.constant 48 : i32
        } else {
        }
        %slice3A_112 = vector.extract_strided_slice %get3A_57 {offsets = [6], sizes = [1], strides = [1]} : vector<16xi32> to vector<1xi32>
        %squeeze3A_113 = vector.extract %slice3A_112[0] : i32 from vector<1xi32>
        %eq3A_114 = arith.constant 0 : i32
        %eq3A_115 = arith.cmpi eq, %squeeze3A_113, %eq3A_114 : i32
        %convert_element_type3A_116 = arith.extui %eq3A_115 : i1 to i32
        %cond3A_117 = arith.constant 0 : i32
        %cond3A_118 = arith.cmpi ne, %convert_element_type3A_116, %cond3A_117 : i32
        scf.if %cond3A_118 {
          %scan3A_182 = arith.constant 0 : i32
          %scan3A_183 = arith.constant 0 : i32
          %scan3A_184 = arith.constant 48 : i32
          %scan3A_185 = arith.addi %scan3A_183, %scan3A_184 : i32
          %scan3A_186 = arith.constant 1 : i32
          scf.for %scan3A_188 = %scan3A_183 to %scan3A_185 step %scan3A_186  : i32 {
            %broadcast_in_dim3A = arith.constant 0.000000e+00 : f32
            %broadcast_in_dim3A_189 = vector.broadcast %broadcast_in_dim3A : f32 to vector<16xf32>
            %mul3A_190 = arith.constant 16 : i32
            %mul3A_191 = arith.muli %scan3A_188, %mul3A_190 : i32
            %swap3A = arith.constant 54 : i32
            %swap3A_192 = arith.index_cast %swap3A : i32 to index
            %swap3A_193 = arith.index_cast %mul3A_191 : i32 to index
            %swap3A_194 = tpu.vector_load %arg6[%swap3A_192, %swap3A_193] {strides = array<i32>} : memref<64x768xf32, #tpu.memory_space<vmem>>, vector<16xf32>,
            tpu.vector_store %arg6[%swap3A_192, %swap3A_193], %broadcast_in_dim3A_189 {strides = array<i32>} : memref<64x768xf32, #tpu.memory_space<vmem>>, vector<16xf32>,
          }
          %scan3A_187 = arith.constant 48 : i32
        } else {
        }
        %slice3A_119 = vector.extract_strided_slice %get3A_57 {offsets = [7], sizes = [1], strides = [1]} : vector<16xi32> to vector<1xi32>
        %squeeze3A_120 = vector.extract %slice3A_119[0] : i32 from vector<1xi32>
        %eq3A_121 = arith.constant 0 : i32
        %eq3A_122 = arith.cmpi eq, %squeeze3A_120, %eq3A_121 : i32
        %convert_element_type3A_123 = arith.extui %eq3A_122 : i1 to i32
        %cond3A_124 = arith.constant 0 : i32
        %cond3A_125 = arith.cmpi ne, %convert_element_type3A_123, %cond3A_124 : i32
        scf.if %cond3A_125 {
          %scan3A_182 = arith.constant 0 : i32
          %scan3A_183 = arith.constant 0 : i32
          %scan3A_184 = arith.constant 48 : i32
          %scan3A_185 = arith.addi %scan3A_183, %scan3A_184 : i32
          %scan3A_186 = arith.constant 1 : i32
          scf.for %scan3A_188 = %scan3A_183 to %scan3A_185 step %scan3A_186  : i32 {
            %broadcast_in_dim3A = arith.constant 0.000000e+00 : f32
            %broadcast_in_dim3A_189 = vector.broadcast %broadcast_in_dim3A : f32 to vector<16xf32>
            %mul3A_190 = arith.constant 16 : i32
            %mul3A_191 = arith.muli %scan3A_188, %mul3A_190 : i32
            %swap3A = arith.constant 55 : i32
            %swap3A_192 = arith.index_cast %swap3A : i32 to index
            %swap3A_193 = arith.index_cast %mul3A_191 : i32 to index
            %swap3A_194 = tpu.vector_load %arg6[%swap3A_192, %swap3A_193] {strides = array<i32>} : memref<64x768xf32, #tpu.memory_space<vmem>>, vector<16xf32>,
            tpu.vector_store %arg6[%swap3A_192, %swap3A_193], %broadcast_in_dim3A_189 {strides = array<i32>} : memref<64x768xf32, #tpu.memory_space<vmem>>, vector<16xf32>,
          }
          %scan3A_187 = arith.constant 48 : i32
        } else {
        }
        %slice3A_126 = vector.extract_strided_slice %get3A_57 {offsets = [8], sizes = [1], strides = [1]} : vector<16xi32> to vector<1xi32>
        %squeeze3A_127 = vector.extract %slice3A_126[0] : i32 from vector<1xi32>
        %eq3A_128 = arith.constant 0 : i32
        %eq3A_129 = arith.cmpi eq, %squeeze3A_127, %eq3A_128 : i32
        %convert_element_type3A_130 = arith.extui %eq3A_129 : i1 to i32
        %cond3A_131 = arith.constant 0 : i32
        %cond3A_132 = arith.cmpi ne, %convert_element_type3A_130, %cond3A_131 : i32
        scf.if %cond3A_132 {
          %scan3A_182 = arith.constant 0 : i32
          %scan3A_183 = arith.constant 0 : i32
          %scan3A_184 = arith.constant 48 : i32
          %scan3A_185 = arith.addi %scan3A_183, %scan3A_184 : i32
          %scan3A_186 = arith.constant 1 : i32
          scf.for %scan3A_188 = %scan3A_183 to %scan3A_185 step %scan3A_186  : i32 {
            %broadcast_in_dim3A = arith.constant 0.000000e+00 : f32
            %broadcast_in_dim3A_189 = vector.broadcast %broadcast_in_dim3A : f32 to vector<16xf32>
            %mul3A_190 = arith.constant 16 : i32
            %mul3A_191 = arith.muli %scan3A_188, %mul3A_190 : i32
            %swap3A = arith.constant 56 : i32
            %swap3A_192 = arith.index_cast %swap3A : i32 to index
            %swap3A_193 = arith.index_cast %mul3A_191 : i32 to index
            %swap3A_194 = tpu.vector_load %arg6[%swap3A_192, %swap3A_193] {strides = array<i32>} : memref<64x768xf32, #tpu.memory_space<vmem>>, vector<16xf32>,
            tpu.vector_store %arg6[%swap3A_192, %swap3A_193], %broadcast_in_dim3A_189 {strides = array<i32>} : memref<64x768xf32, #tpu.memory_space<vmem>>, vector<16xf32>,
          }
          %scan3A_187 = arith.constant 48 : i32
        } else {
        }
        %slice3A_133 = vector.extract_strided_slice %get3A_57 {offsets = [9], sizes = [1], strides = [1]} : vector<16xi32> to vector<1xi32>
        %squeeze3A_134 = vector.extract %slice3A_133[0] : i32 from vector<1xi32>
        %eq3A_135 = arith.constant 0 : i32
        %eq3A_136 = arith.cmpi eq, %squeeze3A_134, %eq3A_135 : i32
        %convert_element_type3A_137 = arith.extui %eq3A_136 : i1 to i32
        %cond3A_138 = arith.constant 0 : i32
        %cond3A_139 = arith.cmpi ne, %convert_element_type3A_137, %cond3A_138 : i32
        scf.if %cond3A_139 {
          %scan3A_182 = arith.constant 0 : i32
          %scan3A_183 = arith.constant 0 : i32
          %scan3A_184 = arith.constant 48 : i32
          %scan3A_185 = arith.addi %scan3A_183, %scan3A_184 : i32
          %scan3A_186 = arith.constant 1 : i32
          scf.for %scan3A_188 = %scan3A_183 to %scan3A_185 step %scan3A_186  : i32 {
            %broadcast_in_dim3A = arith.constant 0.000000e+00 : f32
            %broadcast_in_dim3A_189 = vector.broadcast %broadcast_in_dim3A : f32 to vector<16xf32>
            %mul3A_190 = arith.constant 16 : i32
            %mul3A_191 = arith.muli %scan3A_188, %mul3A_190 : i32
            %swap3A = arith.constant 57 : i32
            %swap3A_192 = arith.index_cast %swap3A : i32 to index
            %swap3A_193 = arith.index_cast %mul3A_191 : i32 to index
            %swap3A_194 = tpu.vector_load %arg6[%swap3A_192, %swap3A_193] {strides = array<i32>} : memref<64x768xf32, #tpu.memory_space<vmem>>, vector<16xf32>,
            tpu.vector_store %arg6[%swap3A_192, %swap3A_193], %broadcast_in_dim3A_189 {strides = array<i32>} : memref<64x768xf32, #tpu.memory_space<vmem>>, vector<16xf32>,
          }
          %scan3A_187 = arith.constant 48 : i32
        } else {
        }
        %slice3A_140 = vector.extract_strided_slice %get3A_57 {offsets = [10], sizes = [1], strides = [1]} : vector<16xi32> to vector<1xi32>
        %squeeze3A_141 = vector.extract %slice3A_140[0] : i32 from vector<1xi32>
        %eq3A_142 = arith.constant 0 : i32
        %eq3A_143 = arith.cmpi eq, %squeeze3A_141, %eq3A_142 : i32
        %convert_element_type3A_144 = arith.extui %eq3A_143 : i1 to i32
        %cond3A_145 = arith.constant 0 : i32
        %cond3A_146 = arith.cmpi ne, %convert_element_type3A_144, %cond3A_145 : i32
        scf.if %cond3A_146 {
          %scan3A_182 = arith.constant 0 : i32
          %scan3A_183 = arith.constant 0 : i32
          %scan3A_184 = arith.constant 48 : i32
          %scan3A_185 = arith.addi %scan3A_183, %scan3A_184 : i32
          %scan3A_186 = arith.constant 1 : i32
          scf.for %scan3A_188 = %scan3A_183 to %scan3A_185 step %scan3A_186  : i32 {
            %broadcast_in_dim3A = arith.constant 0.000000e+00 : f32
            %broadcast_in_dim3A_189 = vector.broadcast %broadcast_in_dim3A : f32 to vector<16xf32>
            %mul3A_190 = arith.constant 16 : i32
            %mul3A_191 = arith.muli %scan3A_188, %mul3A_190 : i32
            %swap3A = arith.constant 58 : i32
            %swap3A_192 = arith.index_cast %swap3A : i32 to index
            %swap3A_193 = arith.index_cast %mul3A_191 : i32 to index
            %swap3A_194 = tpu.vector_load %arg6[%swap3A_192, %swap3A_193] {strides = array<i32>} : memref<64x768xf32, #tpu.memory_space<vmem>>, vector<16xf32>,
            tpu.vector_store %arg6[%swap3A_192, %swap3A_193], %broadcast_in_dim3A_189 {strides = array<i32>} : memref<64x768xf32, #tpu.memory_space<vmem>>, vector<16xf32>,
          }
          %scan3A_187 = arith.constant 48 : i32
        } else {
        }
        %slice3A_147 = vector.extract_strided_slice %get3A_57 {offsets = [11], sizes = [1], strides = [1]} : vector<16xi32> to vector<1xi32>
        %squeeze3A_148 = vector.extract %slice3A_147[0] : i32 from vector<1xi32>
        %eq3A_149 = arith.constant 0 : i32
        %eq3A_150 = arith.cmpi eq, %squeeze3A_148, %eq3A_149 : i32
        %convert_element_type3A_151 = arith.extui %eq3A_150 : i1 to i32
        %cond3A_152 = arith.constant 0 : i32
        %cond3A_153 = arith.cmpi ne, %convert_element_type3A_151, %cond3A_152 : i32
        scf.if %cond3A_153 {
          %scan3A_182 = arith.constant 0 : i32
          %scan3A_183 = arith.constant 0 : i32
          %scan3A_184 = arith.constant 48 : i32
          %scan3A_185 = arith.addi %scan3A_183, %scan3A_184 : i32
          %scan3A_186 = arith.constant 1 : i32
          scf.for %scan3A_188 = %scan3A_183 to %scan3A_185 step %scan3A_186  : i32 {
            %broadcast_in_dim3A = arith.constant 0.000000e+00 : f32
            %broadcast_in_dim3A_189 = vector.broadcast %broadcast_in_dim3A : f32 to vector<16xf32>
            %mul3A_190 = arith.constant 16 : i32
            %mul3A_191 = arith.muli %scan3A_188, %mul3A_190 : i32
            %swap3A = arith.constant 59 : i32
            %swap3A_192 = arith.index_cast %swap3A : i32 to index
            %swap3A_193 = arith.index_cast %mul3A_191 : i32 to index
            %swap3A_194 = tpu.vector_load %arg6[%swap3A_192, %swap3A_193] {strides = array<i32>} : memref<64x768xf32, #tpu.memory_space<vmem>>, vector<16xf32>,
            tpu.vector_store %arg6[%swap3A_192, %swap3A_193], %broadcast_in_dim3A_189 {strides = array<i32>} : memref<64x768xf32, #tpu.memory_space<vmem>>, vector<16xf32>,
          }
          %scan3A_187 = arith.constant 48 : i32
        } else {
        }
        %slice3A_154 = vector.extract_strided_slice %get3A_57 {offsets = [12], sizes = [1], strides = [1]} : vector<16xi32> to vector<1xi32>
        %squeeze3A_155 = vector.extract %slice3A_154[0] : i32 from vector<1xi32>
        %eq3A_156 = arith.constant 0 : i32
        %eq3A_157 = arith.cmpi eq, %squeeze3A_155, %eq3A_156 : i32
        %convert_element_type3A_158 = arith.extui %eq3A_157 : i1 to i32
        %cond3A_159 = arith.constant 0 : i32
        %cond3A_160 = arith.cmpi ne, %convert_element_type3A_158, %cond3A_159 : i32
        scf.if %cond3A_160 {
          %scan3A_182 = arith.constant 0 : i32
          %scan3A_183 = arith.constant 0 : i32
          %scan3A_184 = arith.constant 48 : i32
          %scan3A_185 = arith.addi %scan3A_183, %scan3A_184 : i32
          %scan3A_186 = arith.constant 1 : i32
          scf.for %scan3A_188 = %scan3A_183 to %scan3A_185 step %scan3A_186  : i32 {
            %broadcast_in_dim3A = arith.constant 0.000000e+00 : f32
            %broadcast_in_dim3A_189 = vector.broadcast %broadcast_in_dim3A : f32 to vector<16xf32>
            %mul3A_190 = arith.constant 16 : i32
            %mul3A_191 = arith.muli %scan3A_188, %mul3A_190 : i32
            %swap3A = arith.constant 60 : i32
            %swap3A_192 = arith.index_cast %swap3A : i32 to index
            %swap3A_193 = arith.index_cast %mul3A_191 : i32 to index
            %swap3A_194 = tpu.vector_load %arg6[%swap3A_192, %swap3A_193] {strides = array<i32>} : memref<64x768xf32, #tpu.memory_space<vmem>>, vector<16xf32>,
            tpu.vector_store %arg6[%swap3A_192, %swap3A_193], %broadcast_in_dim3A_189 {strides = array<i32>} : memref<64x768xf32, #tpu.memory_space<vmem>>, vector<16xf32>,
          }
          %scan3A_187 = arith.constant 48 : i32
        } else {
        }
        %slice3A_161 = vector.extract_strided_slice %get3A_57 {offsets = [13], sizes = [1], strides = [1]} : vector<16xi32> to vector<1xi32>
        %squeeze3A_162 = vector.extract %slice3A_161[0] : i32 from vector<1xi32>
        %eq3A_163 = arith.constant 0 : i32
        %eq3A_164 = arith.cmpi eq, %squeeze3A_162, %eq3A_163 : i32
        %convert_element_type3A_165 = arith.extui %eq3A_164 : i1 to i32
        %cond3A_166 = arith.constant 0 : i32
        %cond3A_167 = arith.cmpi ne, %convert_element_type3A_165, %cond3A_166 : i32
        scf.if %cond3A_167 {
          %scan3A_182 = arith.constant 0 : i32
          %scan3A_183 = arith.constant 0 : i32
          %scan3A_184 = arith.constant 48 : i32
          %scan3A_185 = arith.addi %scan3A_183, %scan3A_184 : i32
          %scan3A_186 = arith.constant 1 : i32
          scf.for %scan3A_188 = %scan3A_183 to %scan3A_185 step %scan3A_186  : i32 {
            %broadcast_in_dim3A = arith.constant 0.000000e+00 : f32
            %broadcast_in_dim3A_189 = vector.broadcast %broadcast_in_dim3A : f32 to vector<16xf32>
            %mul3A_190 = arith.constant 16 : i32
            %mul3A_191 = arith.muli %scan3A_188, %mul3A_190 : i32
            %swap3A = arith.constant 61 : i32
            %swap3A_192 = arith.index_cast %swap3A : i32 to index
            %swap3A_193 = arith.index_cast %mul3A_191 : i32 to index
            %swap3A_194 = tpu.vector_load %arg6[%swap3A_192, %swap3A_193] {strides = array<i32>} : memref<64x768xf32, #tpu.memory_space<vmem>>, vector<16xf32>,
            tpu.vector_store %arg6[%swap3A_192, %swap3A_193], %broadcast_in_dim3A_189 {strides = array<i32>} : memref<64x768xf32, #tpu.memory_space<vmem>>, vector<16xf32>,
          }
          %scan3A_187 = arith.constant 48 : i32
        } else {
        }
        %slice3A_168 = vector.extract_strided_slice %get3A_57 {offsets = [14], sizes = [1], strides = [1]} : vector<16xi32> to vector<1xi32>
        %squeeze3A_169 = vector.extract %slice3A_168[0] : i32 from vector<1xi32>
        %eq3A_170 = arith.constant 0 : i32
        %eq3A_171 = arith.cmpi eq, %squeeze3A_169, %eq3A_170 : i32
        %convert_element_type3A_172 = arith.extui %eq3A_171 : i1 to i32
        %cond3A_173 = arith.constant 0 : i32
        %cond3A_174 = arith.cmpi ne, %convert_element_type3A_172, %cond3A_173 : i32
        scf.if %cond3A_174 {
          %scan3A_182 = arith.constant 0 : i32
          %scan3A_183 = arith.constant 0 : i32
          %scan3A_184 = arith.constant 48 : i32
          %scan3A_185 = arith.addi %scan3A_183, %scan3A_184 : i32
          %scan3A_186 = arith.constant 1 : i32
          scf.for %scan3A_188 = %scan3A_183 to %scan3A_185 step %scan3A_186  : i32 {
            %broadcast_in_dim3A = arith.constant 0.000000e+00 : f32
            %broadcast_in_dim3A_189 = vector.broadcast %broadcast_in_dim3A : f32 to vector<16xf32>
            %mul3A_190 = arith.constant 16 : i32
            %mul3A_191 = arith.muli %scan3A_188, %mul3A_190 : i32
            %swap3A = arith.constant 62 : i32
            %swap3A_192 = arith.index_cast %swap3A : i32 to index
            %swap3A_193 = arith.index_cast %mul3A_191 : i32 to index
            %swap3A_194 = tpu.vector_load %arg6[%swap3A_192, %swap3A_193] {strides = array<i32>} : memref<64x768xf32, #tpu.memory_space<vmem>>, vector<16xf32>,
            tpu.vector_store %arg6[%swap3A_192, %swap3A_193], %broadcast_in_dim3A_189 {strides = array<i32>} : memref<64x768xf32, #tpu.memory_space<vmem>>, vector<16xf32>,
          }
          %scan3A_187 = arith.constant 48 : i32
        } else {
        }
        %slice3A_175 = vector.extract_strided_slice %get3A_57 {offsets = [15], sizes = [1], strides = [1]} : vector<16xi32> to vector<1xi32>
        %squeeze3A_176 = vector.extract %slice3A_175[0] : i32 from vector<1xi32>
        %eq3A_177 = arith.constant 0 : i32
        %eq3A_178 = arith.cmpi eq, %squeeze3A_176, %eq3A_177 : i32
        %convert_element_type3A_179 = arith.extui %eq3A_178 : i1 to i32
        %cond3A_180 = arith.constant 0 : i32
        %cond3A_181 = arith.cmpi ne, %convert_element_type3A_179, %cond3A_180 : i32
        scf.if %cond3A_181 {
          %scan3A_182 = arith.constant 0 : i32
          %scan3A_183 = arith.constant 0 : i32
          %scan3A_184 = arith.constant 48 : i32
          %scan3A_185 = arith.addi %scan3A_183, %scan3A_184 : i32
          %scan3A_186 = arith.constant 1 : i32
          scf.for %scan3A_188 = %scan3A_183 to %scan3A_185 step %scan3A_186  : i32 {
            %broadcast_in_dim3A = arith.constant 0.000000e+00 : f32
            %broadcast_in_dim3A_189 = vector.broadcast %broadcast_in_dim3A : f32 to vector<16xf32>
            %mul3A_190 = arith.constant 16 : i32
            %mul3A_191 = arith.muli %scan3A_188, %mul3A_190 : i32
            %swap3A = arith.constant 63 : i32
            %swap3A_192 = arith.index_cast %swap3A : i32 to index
            %swap3A_193 = arith.index_cast %mul3A_191 : i32 to index
            %swap3A_194 = tpu.vector_load %arg6[%swap3A_192, %swap3A_193] {strides = array<i32>} : memref<64x768xf32, #tpu.memory_space<vmem>>, vector<16xf32>,
            tpu.vector_store %arg6[%swap3A_192, %swap3A_193], %broadcast_in_dim3A_189 {strides = array<i32>} : memref<64x768xf32, #tpu.memory_space<vmem>>, vector<16xf32>,
          }
          %scan3A_187 = arith.constant 48 : i32
        } else {
        }
      } else {
      }
      %add3A_69 = arith.addi %mul3A_2, %mul3A_10 : i32
      "tpu.region"() ({
        %run_scoped3A = tpu.sem_alloc : memref<!tpu.dma_semaphore, #tpu.memory_space<semaphore_mem>>
        %dma_start3A_70 = arith.constant 0 : i32
        %dma_start3A_71 = tpu.memref_slice %arg4[%add3A_69, %dma_start3A_70] : memref<204800x768xf32, #tpu.memory_space<hbm>> -> memref<64x768xf32, #tpu.memory_space<hbm>>
        %dma_start3A_72 = arith.constant 0 : i32
        %dma_start3A_73 = tpu.memref_slice %arg4[%add3A_69, %dma_start3A_72] : memref<204800x768xf32, #tpu.memory_space<hbm>> -> memref<64x768xf32, #tpu.memory_space<hbm>>
        tpu.enqueue_dma source(%arg6 : memref<64x768xf32, #tpu.memory_space<vmem>>) target(%dma_start3A_73 : memref<64x768xf32, #tpu.memory_space<hbm>>) target_semaphore(%run_scoped3A : memref<!tpu.dma_semaphore, #tpu.memory_space<semaphore_mem>>)
        %dma_wait3A_74 = arith.constant 0 : i32
        %dma_wait3A_75 = tpu.memref_slice %arg4[%add3A_69, %dma_wait3A_74] : memref<204800x768xf32, #tpu.memory_space<hbm>> -> memref<64x768xf32, #tpu.memory_space<hbm>>
        %dma_wait3A_76 = arith.constant 0 : i32
        %dma_wait3A_77 = tpu.memref_slice %arg4[%add3A_69, %dma_wait3A_76] : memref<204800x768xf32, #tpu.memory_space<hbm>> -> memref<64x768xf32, #tpu.memory_space<hbm>>
        tpu.wait_dma2 semaphore(%run_scoped3A : memref<!tpu.dma_semaphore, #tpu.memory_space<semaphore_mem>>) src(%arg6 : memref<64x768xf32, #tpu.memory_space<vmem>>) dst(%dma_wait3A_77 : memref<64x768xf32, #tpu.memory_space<hbm>>)
        tpu.yield
      }) : () -> ()
    }
    %scan3A_7 = arith.constant 100 : i32
    return
  }
}

</mosaic_0001>

<sc_bundles>
// kernel: _emb_lookup.3.cloned.1.call-start
scs
__scs_entry_jumppad:
0x0: {  	(pc) =	sbr.rel $0x88, $3  }
0x1: {  	(tag) =	ssettag $0x0;
	lr =	simm.s32 $0x1  }
0x2: {  	[smem:$0x3F9F] =	sst lr;
	_ =	strace $0xD0000000  }
0x3: {  	_ = 	snop  }
0x4: {  	_ = 	snop  }
0x5: {  	_ = 	snop  }
0x6: {  	_ = 	snop  }
0x7: {  	_ = 	snop  }
__scs_overlays_trampoline_lowered:
0x8: {  	[smem:$0x3FAE] =	sst s0  }
0x9: {  	[smem:$0x3FAF] =	sst s1  }
0xa: {  	[smem:$0x3FB0] =	sst s2  }
0xb: {  	[smem:$0x3FB1] =	sst s3  }
0xc: {  	[smem:$0x3FB2] =	sst s4  }
0xd: {  	[smem:$0x3FB3] =	sst s5  }
0xe: {  	[smem:$0x3FB4] =	sst s6  }
0xf: {  	[smem:$0x3FB5] =	sst s7  }
0x10: {  	[smem:$0x3FB6] =	sst s8  }
0x11: {  	[smem:$0x3FB7] =	sst s9;
	s0 =	simm.s32 @!p0 $0x0  }
0x12: {  	s1 =	sld [smem:$0x3F9D];
	s0 =	simm.s32 @p0 $0x1  }
0x13: {  	[smem:$0x3FB8] =	sst s0;
	s0 =	simm.s32 @!p1 $0x0  }
0x14: {  	s2 =	sld [smem:$0x3F9C];
	s0 =	simm.s32 @p1 $0x1  }
0x15: {  	[smem:$0x3FB9] =	sst s0;
	s0 =	simm.s32 @!p2 $0x0  }
0x16: {  	s3 =	sld [smem:$0x3FDB];
	s0 =	simm.s32 @p2 $0x1  }
0x17: {  	s4 =	simm.s32 $0x1BF5;
	[smem:$0x3FBB] =	sst s0  }
0x18: {  	s0 =	sld [smem:$0x3F9E];
	_ =	swait.ge [sflag:s4], $0x0  }
0x19: {  	s7 =	sld [smem:$0x3F9F]  }
0x1a: {  	s8 =	sadd.s32 $0xFFFFE003, lr  }
0x1b: {  	s9 =	sadd.s32 $0xFFFFFEF7, lr;
	s5 =	simm.s32 $0xFFFFFFFF;
	p2 =	slt.u32 s8, $0xFFFFF086  }
0x1c: {  	p1 =	slt.u32 s9, $0xF7A;
	s5 =	simm.s32 @!p2 $0x0  }
0x1d: {  	s5 =	simm.s32 @p1 $0x1;
	p0 =	seq.s32 s7, s2  }
0x1e: {  	s7 =	smul.u32 @!p0 $0xF7A, s2;
	p2 =	seq.s32 @!p0 s5, $0x0  }
0x1f: {  	s9 =	smul.u32 $0xF7A, s1;
	s8 =	simm.s32 @!p0 $0x1BF5;
	p2 =	por !p2, p0  }
0x20: {  	[sflag:s8] =	ssyncset.s32 @!p0 $0xFFFFF086;
	s6 =	sadd.s32 @!p0 s3, s7;
	s7 =	simm.s32 @!p0 $0x108  }
0x21: {  	s3 =	sadd.s32 s3, s9;
	s6 =	sadd.s32 @!p0 $0x88, s6;
	s7 =	simm.s32 @p2 $0x1082  }
0x22: {  	[simem:s7], [sflag:s8] =	dma.local @!p0 [hbm:s6], $0xF7A  }
0x23: {  	s9 =	sor.u32 $0xD0000000, s2;
	s6 =	simm.s32 $0x108;
	_ =	swait.ge @!p0 [sflag:s8], $0x0  }
0x24: {  	s3 =	sadd.s32 $0x88, s3;
	s6 =	simm.s32 @!p1 $0x1082;
	[sflag:s4] =	ssyncset.s32 $0xFFFFF086  }
0x25: {  	[simem:s6], [sflag:s4] =	dma.local [hbm:s3], $0xF7A  }
0x26: {  	[smem:$0x3F9F] =	sst s1;
	(tag) =	ssettag s2;
	_ =	strace s9  }
0x27: {  	s1 =	sld [smem:$0x3FAF]  }
0x28: {  	s2 =	sld [smem:$0x3FB0]  }
0x29: {  	s4 =	sld [smem:$0x3FB2]  }
0x2a: {  	p0 =	seq.s32 s5, $0x0;
	s5 =	sld [smem:$0x3FB3]  }
0x2b: {  	s6 =	sld [smem:$0x3FB4]  }
0x2c: {  	s7 =	sld [smem:$0x3FB5]  }
0x2d: {  	s3 =	simm.s32 $0x108;
	s8 =	sld [smem:$0x3FB6]  }
0x2e: {  	s3 =	simm.s32 @!p0 $0x1082;
	s9 =	sld [smem:$0x3FB7]  }
0x2f: {  	lr =	sadd.s32 s0, s3;
	s0 =	sld [smem:$0x3FAE]  }
0x30: {  	s3 =	sld [smem:$0x3FB1]  }
0x31: {  	[smem:$0x3FBA] =	sst s10  }
0x32: {  	s10 =	sld [smem:$0x3FB8];
	_ =	sdelay $0x3  }
0x33: {  	p0 =	seq.s32 s10, $0x1;
	s10 =	sld [smem:$0x3FBA];
	_ =	sdelay $0x3  }
0x34: {  	[smem:$0x3FBA] =	sst s10  }
0x35: {  	s10 =	sld [smem:$0x3FB9];
	_ =	sdelay $0x3  }
0x36: {  	p1 =	seq.s32 s10, $0x1;
	s10 =	sld [smem:$0x3FBA];
	_ =	sdelay $0x3  }
0x37: {  	[smem:$0x3FBA] =	sst s10  }
0x38: {  	s10 =	sld [smem:$0x3FBB]  }
0x39: {  	_ = 	snop;
	(pc) =	sbr.ind lr, $3  }
0x3a: {  	_ = 	snop  }
0x3b: {  	_ = 	snop  }
0x3c: {  	p2 =	seq.s32 s10, $0x1;
	s10 =	sld [smem:$0x3FBA]  }
0x3d: {  	_ =	shalt  }
0x3e: {  	_ =	shalt  }
0x3f: {  	_ =	shalt  }
0x40: {  	_ =	shalt  }
0x41: {  	_ =	shalt  }
0x42: {  	_ =	shalt  }
0x43: {  	_ =	shalt  }
0x44: {  	_ =	shalt  }
0x45: {  	_ =	shalt  }
0x46: {  	_ =	shalt  }
0x47: {  	_ =	shalt  }
0x48: {  	_ =	shalt  }
0x49: {  	_ =	shalt  }
0x4a: {  	_ =	shalt  }
0x4b: {  	_ =	shalt  }
0x4c: {  	_ =	shalt  }
0x4d: {  	_ =	shalt  }
0x4e: {  	_ =	shalt  }
0x4f: {  	_ =	shalt  }
0x50: {  	_ =	shalt  }
0x51: {  	_ =	shalt  }
0x52: {  	_ =	shalt  }
0x53: {  	_ =	shalt  }
0x54: {  	_ =	shalt  }
0x55: {  	_ =	shalt  }
0x56: {  	_ =	shalt  }
0x57: {  	_ =	shalt  }
0x58: {  	_ =	shalt  }
0x59: {  	_ =	shalt  }
0x5a: {  	_ =	shalt  }
0x5b: {  	_ =	shalt  }
0x5c: {  	_ =	shalt  }
0x5d: {  	_ =	shalt  }
0x5e: {  	_ =	shalt  }
0x5f: {  	_ =	shalt  }
0x60: {  	_ =	shalt  }
0x61: {  	_ =	shalt  }
0x62: {  	_ =	shalt  }
0x63: {  	_ =	shalt  }
0x64: {  	_ =	shalt  }
0x65: {  	_ =	shalt  }
0x66: {  	_ =	shalt  }
0x67: {  	_ =	shalt  }
0x68: {  	_ =	shalt  }
0x69: {  	_ =	shalt  }
0x6a: {  	_ =	shalt  }
0x6b: {  	_ =	shalt  }
0x6c: {  	_ =	shalt  }
0x6d: {  	_ =	shalt  }
0x6e: {  	_ =	shalt  }
0x6f: {  	_ =	shalt  }
0x70: {  	_ =	shalt  }
0x71: {  	_ =	shalt  }
0x72: {  	_ =	shalt  }
0x73: {  	_ =	shalt  }
0x74: {  	_ =	shalt  }
0x75: {  	_ =	shalt  }
0x76: {  	_ =	shalt  }
0x77: {  	_ =	shalt  }
0x78: {  	_ =	shalt  }
0x79: {  	_ =	shalt  }
0x7a: {  	_ =	shalt  }
0x7b: {  	_ =	shalt  }
0x7c: {  	_ =	shalt  }
0x7d: {  	_ =	shalt  }
0x7e: {  	_ =	shalt  }
0x7f: {  	_ =	shalt  }
0x80: {  	_ =	shalt  }
0x81: {  	_ =	shalt  }
0x82: {  	_ =	shalt  }
0x83: {  	_ =	shalt  }
0x84: {  	_ =	shalt  }
0x85: {  	_ =	shalt  }
0x86: {  	_ =	shalt  }
0x87: {  	_ =	shalt  }
.Lfunc_end0:
.L_simem_size_0:
called_computation_lowered:
.L_overlay_start_0:
0x88: {  	s2 =	sld [smem:$0x3FD9]  }
0x89: {  	s3 =	sld [smem:$0x3FFE];
	_ =	sdelay $0x1  }
0x8a: {  	s1 =	srdreg.scid  }
0x8b: {  	s0 =	sand.u32 $0x1, s1  }
0x8c: {  	s18 =	sshll.u32 s0, $0xA;
	s2 =	sadd.s32 s3, s2  }
0x8d: {  	s2 =	sadd.s32 s2, s18  }
0x8e: {  	[smem:$0x3FC6] =	sst s2  }
0x8f: {  	_ = 	snop  }
0x90: {  	s2 =	sld [smem:$0x3FC9]  }
0x91: {  	s19 =	sld [smem:$0x3FC8]  }
0x92: {  	s4 =	sld [smem:$0x3FD0];
	(tm) =	ssettm $0x1  }
0x93: {  	s5 =	sld [smem:$0x3FFB];
	_ =	sdelay $0x3  }
0x94: {  	_ =	strace s5  }
0x95: {  	s5 =	sld [smem:$0x3FFC];
	_ =	sdelay $0x3  }
0x96: {  	_ =	strace s5  }
0x97: {  	s5 =	sld [smem:$0x3FFD];
	_ =	sdelay $0x3  }
0x98: {  	_ =	strace s5  }
0x99: {  	_ =	strace $0x8FFFFFFF  }
0x9a: {  	s20 =	sld [smem:$0x3FDB];
	_ =	sdelay $0x1  }
0x9b: {  	s6 =	simm.s32 $_scs_section_size  }
0x9c: {  	s7 =	simm.s32 $_size__tile_overlayer_lowered;
	s8 =	simm.s32 $_tile_overlayer_lowered  }
0x9d: {  	s23 =	simm.s32 $0x1BFF;
	s22 =	sshll.u32 s8, $0x1;
	s5 =	sadd.s32 s6, s20  }
0x9e: {  	s9 =	simm.s32 $0x0;
	s21 =	sshll.u32 s7, $0x1;
	s7 =	sadd.s32 s22, s5  }
0x9f: {  	[timem:s9], [sflag:s23] =	dma.local [hbm:s7], s21  }
0xa0: {  	_ =	swait.ge [sflag:s23], s21  }
0xa1: {  	s6 =	ssub.s32 $0x0, s21;
	[sflag:s23] =	ssyncset.done $0x0  }
0xa2: {  	[sflag:s23] =	ssyncadd.s32 s6;
	_ =	sdelay $0x1  }
0xa3: {  	s24 =	simm.s32 $0x1B8B  }
0xa4: {  	_ =	swait.ge [sflag:s24], $0x1  }
0xa5: {  	[sflag:s24] =	ssyncset.done $0x0  }
0xa6: {  	s25 =	simm.s32 $0x1B8E;
	[sflag:s24] =	ssyncadd.s32 $0xFFFFFFFF  }
0xa7: {  	s26 =	simm.s32 $execute0_lowered;
	[smem:$0x3FD2] =	sst s25  }
0xa8: {  	s6 =	sshll.u32 s26, $0x1;
	_ =	strace $0x80000046;
	[dreg:$0x1] =	wrdreg $0xFFFFFFFF  }
0xa9: {  	s28 =	simm.s32 $_size_execute0_lowered;
	s5 =	sadd.s32 s5, s6;
	[dreg:$0x0] =	wrdreg $0x0  }
0xaa: {  	s6 =	sshll.u32 s28, $0x1;
	[dreg:$0x2] =	wrdreg s5  }
0xab: {  	[dreg:$0x3] =	wrdreg s6  }
0xac: {  	[dreg:$0x4] =	wrdreg $0xC0  }
0xad: {  	_ =	task [dreg:s9], $0x5FFFF  }
0xae: {  	[dreg:$0x1] =	wrdreg $0xFFFFFFFF  }
0xaf: {  	[dreg:$0x0] =	wrdreg $0x60  }
0xb0: {  	[dreg:$0x2] =	wrdreg s2  }
0xb1: {  	[dreg:$0x3] =	wrdreg s19  }
0xb2: {  	[dreg:$0x4] =	wrdreg s4  }
0xb3: {  	[dreg:$0x5] =	wrdreg $0x9  }
0xb4: {  	_ =	task.clear_ibuf [dreg:s9], $0x6FFFF;
	_ =	strace $0x90000046  }
0xb5: {  	s29 =	simm.s32 $0x9;
	_ =	strace $0x80000048  }
0xb6: {  	_ =	swait.ge [sflag:s29], $0x1  }
0xb7: {  	[sflag:s29] =	ssyncadd.s32 $0xFFFFFFFF  }
0xb8: {  	_ =	strace $0x90000048  }
0xb9: {  	_ =	sfence  }
0xba: {  	s30 =	sld [smem:$0x0];
	_ =	sdelay $0x2  }
0xbb: {  	s31 =	sshll.u32 s1, $0xD;
	s1 =	sshrl.u32 s1, $0x2  }
0xbc: {  	s3 =	sand.u32 $0x4000, s31;
	s1 =	sadd.s32 s1, s30  }
0xbd: {  	s0 =	sor.u32 s3, s0;
	s1 =	sshll.u32 s1, $0x11  }
0xbe: {  	s0 =	sor.u32 s1, s0  }
0xbf: {  	s0 =	sadd.s32 $0x8F2B, s0  }
0xc0: {  	[sflag:s0] =	ssyncadd.remote.s32 $0x1  }
0xc1: {  	_ =	sfence.sel $0xFFFF  }
0xc2: {  	[dreg:$0x0] =	wrdreg $0xFFFFFFFF;
	(pc) =	sbr.abs _section_cstart, $3  }
0xc3: {  	[dreg:$0x1] =	wrdreg $0xFFFFFFFF  }
0xc4: {  	_ =	task.clear_ibuf [dreg:s9], $0x2FFFF;
	_ =	strace $0x9FFFFFFF  }
0xc5: {  	(tm) =	ssettm $0x7FFFFFFF  }
tec
execute0_lowered:
.L_overlay_start_1:
0x0: {  	(tag) =	ssettag $0x1  }
0x1: {  	s0 =	srdreg.scid;
	s1 =	rddreg [dreg:$0x0]  }
0x2: {  	s2 =	stileid.u32;
	s3 =	rddreg [dreg:$0x1]  }
0x3: {  	s5 =	simm.s32 $0x0;
	s10 =	simm.s32 $0x2;
	s11 =	simm.s32 $0x1900  }
0x4: {  	s18 =	simm.s32 $0x5100;
	s19 =	simm.s32 $0x5900;
	s20 =	simm.s32 $0x6100  }
0x5: {  	s21 =	simm.s32 $0x6900;
	s22 =	simm.s32 $0x7100;
	s23 =	simm.s32 $0x7900  }
0x6: {  	s24 =	simm.s32 $0x8100;
	s28 =	simm.s32 $0x9900;
	s29 =	simm.s32 $0xA100  }
0x7: {  	s30 =	simm.s32 $0xA900;
	s31 =	simm.s32 $0xB100;
	s9 =	simm.s32 $0xD100  }
0x8: {  	s13 =	simm.s32 $0x0;
	s0 =	sand.u32 $0x1, s0;
	s2 =	sshll.u32 s2, $0x1  }
0x9: {  	[smem:$0x7FF] =	sst s5;
	s7 =	sadd.s32 $0x100, s1;
	s2 =	sor.u32 s0, s2  }
0xa: {  	s8 =	sadd.s32 $0x200, s1;
	s0 =	ssub.s32 $0x2, s0;
	s4 =	smul.u32 $0x1900, s2  }
.Ltmp0:
0xb: {  	_ =	strace $0x80000047;
	s25 =	sshrl.u32 s0, $0x1;
	(pc) =	sbr.rel .LBB2_1-.Ltmp0, $4  }
0xc: {  	s2 =	simm.s32 $0xB900;
	s0 =	ssub.s32 s0, s25;
	s6 =	sshrl.u32 s4, $0x3  }
0xd: {  	v2 =	vlaneseq.u32;
	s25 =	simm.s32 $0x8900;
	s0 =	smax.u32 s0, $0x1;
	s26 =	sadd.s32 s3, s6  }
0xe: {  	vm0 =	vmmov $0xffff;
	v3 =	vimm.f32 $0.0e+00;
	v1 =	vshrl.u32 v2, $0x3;
	[dreg:$0x5] =	wrdreg s0;
	s0 =	simm.s32 $0xC100;
	s6 =	simm.s32 $0xC900  }
0xf: {  	v0 =	vand.u32 $0x7, v2;
	v2 =	vor.u32 $0x8, v2;
	v1 =	vmul.u32 $0x8, v1;
	s3 =	simm.s32 $0x1;
	[dreg:$0x4] =	wrdreg s26;
	s26 =	simm.s32 $0x9100  }
.LBB2_200:
0x10: {  	s13 =	rddreg [dreg:$0x6]  }
0x11: {  	s12 =	rddreg [dreg:$0x5];
	s13 =	sadd.s32 $0x1, s13  }
0x12: {  	p0 =	sne.s32 s13, s12  }
.Ltmp1:
0x13: {  	_ = 	snop;
	(pc) =	sbr.rel @!p0 .LBB2_201-.Ltmp1, $1  }
0x14: {  	_ =	sdelay $0x3  }
.LBB2_1:
0x15: {  	[dreg:$0x6] =	wrdreg s13  }
.Ltmp2:
0x16: {  	s12 =	rddreg [dreg:$0x4];
	(pc) =	sbr.rel .LBB2_2-.Ltmp2, $4  }
0x17: {  	[tilespmem:s5], [sflag:$0x2] =	stream.linear.gather [hbm4b:s12+s5], $0x1900, $0x38;
	[tilespmem:$0xD900] =	vst v63  }
0x18: {  	_ =	swait.ge [sflag:s10], $0x1900  }
0x19: {  	[sflag:s10] =	ssyncset.done $0x0  }
0x1a: {  	s12 =	simm.s32 $0x0;
	[sflag:s10] =	ssyncadd.s32 $0xFFFFE700  }
.LBB2_199:
0x1b: {  	s13 =	sadd.s32 s4, s13  }
0x1c: {  	s13 =	sshrl.u32 s13, $0x3  }
0x1d: {  	s12 =	sadd.s32 $0x1, s12;
	s13 =	smul.u32 $0x300, s13  }
0x1e: {  	s14 =	rddreg [dreg:$0x2];
	p0 =	sne.s32 s12, $0x64  }
.Ltmp3:
0x1f: {  	s13 =	sadd.s32 s14, s13;
	(pc) =	sbr.rel @!p0 .LBB2_200-.Ltmp3, $4  }
0x20: {  	[hbm4b:s13+s5] =	stream.linear.scatter [tilespmem:s11], [sflag:$0x2], $0xC000, $0x38;
	[tilespmem:$0xD900] =	vst v63  }
0x21: {  	_ =	swait.ge [sflag:s10], $0xC000  }
0x22: {  	[sflag:s10] =	ssyncset.done $0x0  }
0x23: {  	[sflag:s10] =	ssyncadd.s32 $0xFFFF4000  }
.LBB2_2:
0x24: {  	s13 =	sshll.u32 s12, $0x6  }
0x25: {  	v4 =	vld [tilespmem:s13+$0x0];
	_ =	sdelay $0x4  }
0x26: {  	v5 =	vshrl.u32 v4, $0x3  }
0x27: {  	v5 =	vmul.u32 $0x30, v5  }
0x28: {  	v4 =	vand.u32 $0x7, v4  }
0x29: {  	v4 =	vor.u32 v4, v5  }
0x2a: {  	v5 =	vperm.xlane v4, v0;
	_ =	sdelay $0x1  }
0x2b: {  	v5 =	vadd.s32 v1, v5;
	_ =	sdelay $0x3  }
0x2c: {  	v4 =	vperm.xlane v4, v2  }
0x2d: {  	[tilespmem:s11], [sflag:$0x1] =	stream.indirect_vreg.gather [hbm4b:s1+s5], $0x80, v5, vm0, $0xb8;
	[tilespmem:$0xD900] =	vst v63  }
0x2e: {  	s14 =	simm.s32 $0x2100;
	v4 =	vadd.s32 v1, v4  }
0x2f: {  	[tilespmem:s14], [sflag:$0x1] =	stream.indirect_vreg.gather [hbm4b:s7+s5], $0x80, v5, vm0, $0xb8;
	[tilespmem:$0xD900] =	vst v63  }
0x30: {  	s15 =	simm.s32 $0x2900  }
0x31: {  	[tilespmem:s15], [sflag:$0x1] =	stream.indirect_vreg.gather [hbm4b:s8+s5], $0x80, v5, vm0, $0xb8;
	[tilespmem:$0xD900] =	vst v63  }
0x32: {  	s16 =	simm.s32 $0x3100  }
0x33: {  	[tilespmem:s16], [sflag:$0x1] =	stream.indirect_vreg.gather [hbm4b:s1+s5], $0x80, v4, vm0, $0xb8;
	[tilespmem:$0xD900] =	vst v63  }
0x34: {  	s17 =	simm.s32 $0x3900  }
0x35: {  	[tilespmem:s17], [sflag:$0x1] =	stream.indirect_vreg.gather [hbm4b:s7+s5], $0x80, v4, vm0, $0xb8;
	[tilespmem:$0xD900] =	vst v63  }
0x36: {  	s15 =	simm.s32 $0x4100  }
0x37: {  	[tilespmem:s15], [sflag:$0x1] =	stream.indirect_vreg.gather [hbm4b:s8+s5], $0x80, v4, vm0, $0xb8;
	[tilespmem:$0xD900] =	vst v63  }
0x38: {  	v4 =	vld [tilespmem:s13+$0x10];
	_ =	sdelay $0x4  }
0x39: {  	v5 =	vshrl.u32 v4, $0x3  }
0x3a: {  	v5 =	vmul.u32 $0x30, v5  }
0x3b: {  	v4 =	vand.u32 $0x7, v4  }
0x3c: {  	v4 =	vor.u32 v4, v5  }
0x3d: {  	v5 =	vperm.xlane v4, v0;
	_ =	sdelay $0x1  }
0x3e: {  	v5 =	vadd.s32 v1, v5;
	_ =	sdelay $0x3  }
0x3f: {  	s16 =	simm.s32 $0x4900;
	v4 =	vperm.xlane v4, v2  }
0x40: {  	[tilespmem:s16], [sflag:$0x1] =	stream.indirect_vreg.gather [hbm4b:s1+s5], $0x80, v5, vm0, $0xb8;
	[tilespmem:$0xD900] =	vst v63  }
0x41: {  	v4 =	vadd.s32 v1, v4  }
0x42: {  	[tilespmem:s18], [sflag:$0x1] =	stream.indirect_vreg.gather [hbm4b:s7+s5], $0x80, v5, vm0, $0xb8;
	[tilespmem:$0xD900] =	vst v63  }
0x43: {  	_ = 	snop  }
0x44: {  	[tilespmem:s19], [sflag:$0x1] =	stream.indirect_vreg.gather [hbm4b:s8+s5], $0x80, v5, vm0, $0xb8;
	[tilespmem:$0xD900] =	vst v63  }
0x45: {  	_ = 	snop  }
0x46: {  	[tilespmem:s20], [sflag:$0x1] =	stream.indirect_vreg.gather [hbm4b:s1+s5], $0x80, v4, vm0, $0xb8;
	[tilespmem:$0xD900] =	vst v63  }
0x47: {  	_ = 	snop  }
0x48: {  	[tilespmem:s21], [sflag:$0x1] =	stream.indirect_vreg.gather [hbm4b:s7+s5], $0x80, v4, vm0, $0xb8;
	[tilespmem:$0xD900] =	vst v63  }
0x49: {  	_ = 	snop  }
0x4a: {  	[tilespmem:s22], [sflag:$0x1] =	stream.indirect_vreg.gather [hbm4b:s8+s5], $0x80, v4, vm0, $0xb8;
	[tilespmem:$0xD900] =	vst v63  }
0x4b: {  	v4 =	vld [tilespmem:s13+$0x20];
	_ =	sdelay $0x4  }
0x4c: {  	v5 =	vshrl.u32 v4, $0x3  }
0x4d: {  	v5 =	vmul.u32 $0x30, v5  }
0x4e: {  	v4 =	vand.u32 $0x7, v4  }
0x4f: {  	v4 =	vor.u32 v4, v5  }
0x50: {  	v5 =	vperm.xlane v4, v0;
	_ =	sdelay $0x1  }
0x51: {  	v5 =	vadd.s32 v1, v5;
	_ =	sdelay $0x3  }
0x52: {  	v4 =	vperm.xlane v4, v2  }
0x53: {  	[tilespmem:s23], [sflag:$0x1] =	stream.indirect_vreg.gather [hbm4b:s1+s5], $0x80, v5, vm0, $0xb8;
	[tilespmem:$0xD900] =	vst v63  }
0x54: {  	v4 =	vadd.s32 v1, v4  }
0x55: {  	[tilespmem:s24], [sflag:$0x1] =	stream.indirect_vreg.gather [hbm4b:s7+s5], $0x80, v5, vm0, $0xb8;
	[tilespmem:$0xD900] =	vst v63  }
0x56: {  	_ = 	snop  }
0x57: {  	[tilespmem:s25], [sflag:$0x1] =	stream.indirect_vreg.gather [hbm4b:s8+s5], $0x80, v5, vm0, $0xb8;
	[tilespmem:$0xD900] =	vst v63  }
0x58: {  	_ = 	snop  }
0x59: {  	[tilespmem:s26], [sflag:$0x1] =	stream.indirect_vreg.gather [hbm4b:s1+s5], $0x80, v4, vm0, $0xb8;
	[tilespmem:$0xD900] =	vst v63  }
0x5a: {  	_ = 	snop  }
0x5b: {  	[tilespmem:s28], [sflag:$0x1] =	stream.indirect_vreg.gather [hbm4b:s7+s5], $0x80, v4, vm0, $0xb8;
	[tilespmem:$0xD900] =	vst v63  }
0x5c: {  	_ = 	snop  }
0x5d: {  	[tilespmem:s29], [sflag:$0x1] =	stream.indirect_vreg.gather [hbm4b:s8+s5], $0x80, v4, vm0, $0xb8;
	[tilespmem:$0xD900] =	vst v63  }
0x5e: {  	v4 =	vld [tilespmem:s13+$0x30];
	_ =	sdelay $0x4  }
0x5f: {  	v5 =	vshrl.u32 v4, $0x3  }
0x60: {  	v5 =	vmul.u32 $0x30, v5  }
0x61: {  	v4 =	vand.u32 $0x7, v4  }
0x62: {  	v4 =	vor.u32 v4, v5  }
0x63: {  	v5 =	vperm.xlane v4, v0;
	_ =	sdelay $0x1  }
0x64: {  	v5 =	vadd.s32 v1, v5;
	_ =	sdelay $0x3  }
0x65: {  	v4 =	vperm.xlane v4, v2  }
0x66: {  	[tilespmem:s30], [sflag:$0x1] =	stream.indirect_vreg.gather [hbm4b:s1+s5], $0x80, v5, vm0, $0xb8;
	[tilespmem:$0xD900] =	vst v63  }
0x67: {  	v4 =	vadd.s32 v1, v4  }
0x68: {  	[tilespmem:s31], [sflag:$0x1] =	stream.indirect_vreg.gather [hbm4b:s7+s5], $0x80, v5, vm0, $0xb8;
	[tilespmem:$0xD900] =	vst v63  }
0x69: {  	_ = 	snop  }
0x6a: {  	[tilespmem:s2], [sflag:$0x1] =	stream.indirect_vreg.gather [hbm4b:s8+s5], $0x80, v5, vm0, $0xb8;
	[tilespmem:$0xD900] =	vst v63  }
0x6b: {  	_ = 	snop  }
0x6c: {  	[tilespmem:s0], [sflag:$0x1] =	stream.indirect_vreg.gather [hbm4b:s1+s5], $0x80, v4, vm0, $0xb8;
	[tilespmem:$0xD900] =	vst v63  }
0x6d: {  	_ = 	snop  }
0x6e: {  	[tilespmem:s6], [sflag:$0x1] =	stream.indirect_vreg.gather [hbm4b:s7+s5], $0x80, v4, vm0, $0xb8;
	[tilespmem:$0xD900] =	vst v63  }
0x6f: {  	_ = 	snop  }
0x70: {  	[tilespmem:s9], [sflag:$0x1] =	stream.indirect_vreg.gather [hbm4b:s8+s5], $0x80, v4, vm0, $0xb8;
	[tilespmem:$0xD900] =	vst v63  }
0x71: {  	_ =	swait.ge [sflag:s3], $0xC000  }
0x72: {  	[sflag:s3] =	ssyncset.done $0x0  }
0x73: {  	[sflag:s3] =	ssyncadd.s32 $0xFFFF4000  }
0x74: {  	v4 =	vld [tilespmem:s13+$0x0];
	_ =	sdelay $0x4  }
0x75: {  	vm1 =	veq.s32 v4, $0x0  }
0x76: {  	v5 =	vmpcnt.ones.xlane vm1;
	_ =	sdelay $0x1  }
0x77: {  	(v2sf) =	vpush v5, $0x0;
	_ =	sdelay $0xe  }
0x78: {  	s17 =	spop (v2sf)  }
0x79: {  	p0 =	slt.s32 s17, $0x1  }
.Ltmp4:
0x7a: {  	_ = 	snop;
	(pc) =	sbr.rel @p0 .LBB2_52-.Ltmp4, $1  }
0x7b: {  	_ =	sdelay $0x3  }
0x7c: {  	(v2sf) =	vpush v4, $0x0;
	_ =	sdelay $0xe  }
0x7d: {  	s14 =	spop (v2sf)  }
0x7e: {  	p0 =	sne.s32 s14, $0x0  }
.Ltmp5:
0x7f: {  	_ = 	snop;
	(pc) =	sbr.rel @p0 .LBB2_6-.Ltmp5, $1  }
0x80: {  	_ =	sdelay $0x3  }
0x81: {  	s14 =	simm.s32 $0x0  }
0x82: {  	s15 =	sand.u32 $0x70, s14;
	s16 =	sand.u32 $0x1C00, s14  }
0x83: {  	s16 =	sor.u32 s15, s16  }
0x84: {  	s15 =	simm.s32 $0x10;
	[tilespmem:s16+$0x1900] =	vst v3  }
.LBB2_5:
0x85: {  	p0 =	sne.s32 s15, $0x2F0  }
.Ltmp6:
0x86: {  	_ = 	snop;
	(pc) =	sbr.rel @p0 .LBB2_5-.Ltmp6, $4  }
0x87: {  	s14 =	sadd.s32 $0x80, s14  }
0x88: {  	s16 =	sand.u32 $0x70, s15;
	s17 =	sand.u32 $0x1C00, s14  }
0x89: {  	s16 =	sor.u32 s16, s17  }
0x8a: {  	s15 =	sadd.s32 $0x10, s15;
	[tilespmem:s16+$0x1900] =	vst v3  }
.LBB2_6:
0x8b: {  	(v2sf) =	vpush v4, $0x1;
	_ =	sdelay $0xe  }
0x8c: {  	s14 =	spop (v2sf)  }
0x8d: {  	p0 =	sne.s32 s14, $0x0  }
.Ltmp7:
0x8e: {  	_ = 	snop;
	(pc) =	sbr.rel @p0 .LBB2_9-.Ltmp7, $1  }
0x8f: {  	_ =	sdelay $0x3  }
0x90: {  	s14 =	simm.s32 $0x0  }
0x91: {  	s15 =	sand.u32 $0x70, s14;
	s16 =	sand.u32 $0x1C00, s14  }
0x92: {  	s16 =	sor.u32 s15, s16  }
0x93: {  	s15 =	simm.s32 $0x10;
	[tilespmem:s16+$0x1980] =	vst v3  }
.LBB2_8:
0x94: {  	p0 =	sne.s32 s15, $0x2F0  }
.Ltmp8:
0x95: {  	_ = 	snop;
	(pc) =	sbr.rel @p0 .LBB2_8-.Ltmp8, $4  }
0x96: {  	s14 =	sadd.s32 $0x80, s14  }
0x97: {  	s16 =	sand.u32 $0x70, s15;
	s17 =	sand.u32 $0x1C00, s14  }
0x98: {  	s16 =	sor.u32 s16, s17  }
0x99: {  	s15 =	sadd.s32 $0x10, s15;
	[tilespmem:s16+$0x1980] =	vst v3  }
.LBB2_9:
0x9a: {  	(v2sf) =	vpush v4, $0x2;
	_ =	sdelay $0xe  }
0x9b: {  	s14 =	spop (v2sf)  }
0x9c: {  	p0 =	sne.s32 s14, $0x0  }
.Ltmp9:
0x9d: {  	_ = 	snop;
	(pc) =	sbr.rel @p0 .LBB2_12-.Ltmp9, $1  }
0x9e: {  	_ =	sdelay $0x3  }
0x9f: {  	s14 =	simm.s32 $0x0  }
0xa0: {  	s15 =	sand.u32 $0x70, s14;
	s16 =	sand.u32 $0x1C00, s14  }
0xa1: {  	s16 =	sor.u32 s15, s16  }
0xa2: {  	s15 =	simm.s32 $0x10;
	[tilespmem:s16+$0x1A00] =	vst v3  }
.LBB2_11:
0xa3: {  	p0 =	sne.s32 s15, $0x2F0  }
.Ltmp10:
0xa4: {  	_ = 	snop;
	(pc) =	sbr.rel @p0 .LBB2_11-.Ltmp10, $4  }
0xa5: {  	s14 =	sadd.s32 $0x80, s14  }
0xa6: {  	s16 =	sand.u32 $0x70, s15;
	s17 =	sand.u32 $0x1C00, s14  }
0xa7: {  	s16 =	sor.u32 s16, s17  }
0xa8: {  	s15 =	sadd.s32 $0x10, s15;
	[tilespmem:s16+$0x1A00] =	vst v3  }
.LBB2_12:
0xa9: {  	(v2sf) =	vpush v4, $0x3;
	_ =	sdelay $0xe  }
0xaa: {  	s14 =	spop (v2sf)  }
0xab: {  	p0 =	sne.s32 s14, $0x0  }
.Ltmp11:
0xac: {  	_ = 	snop;
	(pc) =	sbr.rel @p0 .LBB2_15-.Ltmp11, $1  }
0xad: {  	_ =	sdelay $0x3  }
0xae: {  	s14 =	simm.s32 $0x0  }
0xaf: {  	s15 =	sand.u32 $0x70, s14;
	s16 =	sand.u32 $0x1C00, s14  }
0xb0: {  	s16 =	sor.u32 s15, s16  }
0xb1: {  	s15 =	simm.s32 $0x10;
	[tilespmem:s16+$0x1A80] =	vst v3  }
.LBB2_14:
0xb2: {  	p0 =	sne.s32 s15, $0x2F0  }
.Ltmp12:
0xb3: {  	_ = 	snop;
	(pc) =	sbr.rel @p0 .LBB2_14-.Ltmp12, $4  }
0xb4: {  	s14 =	sadd.s32 $0x80, s14  }
0xb5: {  	s16 =	sand.u32 $0x70, s15;
	s17 =	sand.u32 $0x1C00, s14  }
0xb6: {  	s16 =	sor.u32 s16, s17  }
0xb7: {  	s15 =	sadd.s32 $0x10, s15;
	[tilespmem:s16+$0x1A80] =	vst v3  }
.LBB2_15:
0xb8: {  	(v2sf) =	vpush v4, $0x4;
	_ =	sdelay $0xe  }
0xb9: {  	s14 =	spop (v2sf)  }
0xba: {  	p0 =	sne.s32 s14, $0x0  }
.Ltmp13:
0xbb: {  	_ = 	snop;
	(pc) =	sbr.rel @p0 .LBB2_18-.Ltmp13, $1  }
0xbc: {  	_ =	sdelay $0x3  }
0xbd: {  	s14 =	simm.s32 $0x0  }
0xbe: {  	s15 =	sand.u32 $0x70, s14;
	s16 =	sand.u32 $0x1C00, s14  }
0xbf: {  	s16 =	sor.u32 s15, s16  }
0xc0: {  	s15 =	simm.s32 $0x10;
	[tilespmem:s16+$0x1B00] =	vst v3  }
.LBB2_17:
0xc1: {  	p0 =	sne.s32 s15, $0x2F0  }
.Ltmp14:
0xc2: {  	_ = 	snop;
	(pc) =	sbr.rel @p0 .LBB2_17-.Ltmp14, $4  }
0xc3: {  	s14 =	sadd.s32 $0x80, s14  }
0xc4: {  	s16 =	sand.u32 $0x70, s15;
	s17 =	sand.u32 $0x1C00, s14  }
0xc5: {  	s16 =	sor.u32 s16, s17  }
0xc6: {  	s15 =	sadd.s32 $0x10, s15;
	[tilespmem:s16+$0x1B00] =	vst v3  }
.LBB2_18:
0xc7: {  	(v2sf) =	vpush v4, $0x5;
	_ =	sdelay $0xe  }
0xc8: {  	s14 =	spop (v2sf)  }
0xc9: {  	p0 =	sne.s32 s14, $0x0  }
.Ltmp15:
0xca: {  	_ = 	snop;
	(pc) =	sbr.rel @p0 .LBB2_21-.Ltmp15, $1  }
0xcb: {  	_ =	sdelay $0x3  }
0xcc: {  	s14 =	simm.s32 $0x0  }
0xcd: {  	s15 =	sand.u32 $0x70, s14;
	s16 =	sand.u32 $0x1C00, s14  }
0xce: {  	s16 =	sor.u32 s15, s16  }
0xcf: {  	s15 =	simm.s32 $0x10;
	[tilespmem:s16+$0x1B80] =	vst v3  }
.LBB2_20:
0xd0: {  	p0 =	sne.s32 s15, $0x2F0  }
.Ltmp16:
0xd1: {  	_ = 	snop;
	(pc) =	sbr.rel @p0 .LBB2_20-.Ltmp16, $4  }
0xd2: {  	s14 =	sadd.s32 $0x80, s14  }
0xd3: {  	s16 =	sand.u32 $0x70, s15;
	s17 =	sand.u32 $0x1C00, s14  }
0xd4: {  	s16 =	sor.u32 s16, s17  }
0xd5: {  	s15 =	sadd.s32 $0x10, s15;
	[tilespmem:s16+$0x1B80] =	vst v3  }
.LBB2_21:
0xd6: {  	(v2sf) =	vpush v4, $0x6;
	_ =	sdelay $0xe  }
0xd7: {  	s14 =	spop (v2sf)  }
0xd8: {  	p0 =	sne.s32 s14, $0x0  }
.Ltmp17:
0xd9: {  	_ = 	snop;
	(pc) =	sbr.rel @p0 .LBB2_24-.Ltmp17, $1  }
0xda: {  	_ =	sdelay $0x3  }
0xdb: {  	s14 =	simm.s32 $0x0  }
0xdc: {  	s15 =	sand.u32 $0x70, s14;
	s16 =	sand.u32 $0x1C00, s14  }
0xdd: {  	s16 =	sor.u32 s15, s16  }
0xde: {  	s15 =	simm.s32 $0x10;
	[tilespmem:s16+$0x1C00] =	vst v3  }
.LBB2_23:
0xdf: {  	p0 =	sne.s32 s15, $0x2F0  }
.Ltmp18:
0xe0: {  	_ = 	snop;
	(pc) =	sbr.rel @p0 .LBB2_23-.Ltmp18, $4  }
0xe1: {  	s14 =	sadd.s32 $0x80, s14  }
0xe2: {  	s16 =	sand.u32 $0x70, s15;
	s17 =	sand.u32 $0x1C00, s14  }
0xe3: {  	s16 =	sor.u32 s16, s17  }
0xe4: {  	s15 =	sadd.s32 $0x10, s15;
	[tilespmem:s16+$0x1C00] =	vst v3  }
.LBB2_24:
0xe5: {  	(v2sf) =	vpush v4, $0x7;
	_ =	sdelay $0xe  }
0xe6: {  	s14 =	spop (v2sf)  }
0xe7: {  	p0 =	sne.s32 s14, $0x0  }
.Ltmp19:
0xe8: {  	_ = 	snop;
	(pc) =	sbr.rel @p0 .LBB2_28-.Ltmp19, $1  }
0xe9: {  	_ =	sdelay $0x3  }
0xea: {  	s14 =	simm.s32 $0x0  }
0xeb: {  	s16 =	sor.u32 s14, s14  }
0xec: {  	s15 =	simm.s32 $0x10;
	s16 =	sor.u32 $0x380, s16  }
.LBB2_26:
0xed: {  	p0 =	sne.s32 s15, $0x2F0  }
0xee: {  	[tilespmem:s16+$0x1900] =	vst v3;
	s14 =	sadd.s32 $0x80, s14;
	s16 =	smov.u32 s15;
	s15 =	sadd.s32 $0x10, s15  }
.Ltmp20:
0xef: {  	(pc) =	sbr.rel @p0 .LBB2_26-.Ltmp20, $3  }
0xf0: {  	_ =	sdelay $0x1  }
0xf1: {  	s16 =	sor.u32 s14, s16  }
0xf2: {  	s16 =	sor.u32 $0x380, s16  }
0xf3: {  	[tilespmem:s16+$0x1900] =	vst v3  }
.LBB2_28:
0xf4: {  	(v2sf) =	vpush v4, $0x8;
	_ =	sdelay $0xe  }
0xf5: {  	s14 =	spop (v2sf)  }
0xf6: {  	p0 =	sne.s32 s14, $0x0  }
.Ltmp21:
0xf7: {  	_ = 	snop;
	(pc) =	sbr.rel @p0 .LBB2_31-.Ltmp21, $1  }
0xf8: {  	_ =	sdelay $0x3  }
0xf9: {  	s14 =	simm.s32 $0x0  }
0xfa: {  	s15 =	sand.u32 $0x70, s14;
	s16 =	sand.u32 $0x1C00, s14  }
0xfb: {  	s16 =	sor.u32 s15, s16  }
0xfc: {  	s15 =	simm.s32 $0x10;
	[tilespmem:s16+$0x3100] =	vst v3  }
.LBB2_30:
0xfd: {  	p0 =	sne.s32 s15, $0x2F0  }
.Ltmp22:
0xfe: {  	_ = 	snop;
	(pc) =	sbr.rel @p0 .LBB2_30-.Ltmp22, $4  }
0xff: {  	s14 =	sadd.s32 $0x80, s14  }
0x100: {  	s16 =	sand.u32 $0x70, s15;
	s17 =	sand.u32 $0x1C00, s14  }
0x101: {  	s16 =	sor.u32 s16, s17  }
0x102: {  	s15 =	sadd.s32 $0x10, s15;
	[tilespmem:s16+$0x3100] =	vst v3  }
.LBB2_31:
0x103: {  	(v2sf) =	vpush v4, $0x9;
	_ =	sdelay $0xe  }
0x104: {  	s14 =	spop (v2sf)  }
0x105: {  	p0 =	sne.s32 s14, $0x0  }
.Ltmp23:
0x106: {  	_ = 	snop;
	(pc) =	sbr.rel @p0 .LBB2_34-.Ltmp23, $1  }
0x107: {  	_ =	sdelay $0x3  }
0x108: {  	s14 =	simm.s32 $0x0  }
0x109: {  	s15 =	sand.u32 $0x70, s14;
	s16 =	sand.u32 $0x1C00, s14  }
0x10a: {  	s16 =	sor.u32 s15, s16  }
0x10b: {  	s15 =	simm.s32 $0x10;
	[tilespmem:s16+$0x3180] =	vst v3  }
.LBB2_33:
0x10c: {  	p0 =	sne.s32 s15, $0x2F0  }
.Ltmp24:
0x10d: {  	_ = 	snop;
	(pc) =	sbr.rel @p0 .LBB2_33-.Ltmp24, $4  }
0x10e: {  	s14 =	sadd.s32 $0x80, s14  }
0x10f: {  	s16 =	sand.u32 $0x70, s15;
	s17 =	sand.u32 $0x1C00, s14  }
0x110: {  	s16 =	sor.u32 s16, s17  }
0x111: {  	s15 =	sadd.s32 $0x10, s15;
	[tilespmem:s16+$0x3180] =	vst v3  }
.LBB2_34:
0x112: {  	(v2sf) =	vpush v4, $0xA;
	_ =	sdelay $0xe  }
0x113: {  	s14 =	spop (v2sf)  }
0x114: {  	p0 =	sne.s32 s14, $0x0  }
.Ltmp25:
0x115: {  	_ = 	snop;
	(pc) =	sbr.rel @p0 .LBB2_37-.Ltmp25, $1  }
0x116: {  	_ =	sdelay $0x3  }
0x117: {  	s14 =	simm.s32 $0x0  }
0x118: {  	s15 =	sand.u32 $0x70, s14;
	s16 =	sand.u32 $0x1C00, s14  }
0x119: {  	s16 =	sor.u32 s15, s16  }
0x11a: {  	s15 =	simm.s32 $0x10;
	[tilespmem:s16+$0x3200] =	vst v3  }
.LBB2_36:
0x11b: {  	p0 =	sne.s32 s15, $0x2F0  }
.Ltmp26:
0x11c: {  	_ = 	snop;
	(pc) =	sbr.rel @p0 .LBB2_36-.Ltmp26, $4  }
0x11d: {  	s14 =	sadd.s32 $0x80, s14  }
0x11e: {  	s16 =	sand.u32 $0x70, s15;
	s17 =	sand.u32 $0x1C00, s14  }
0x11f: {  	s16 =	sor.u32 s16, s17  }
0x120: {  	s15 =	sadd.s32 $0x10, s15;
	[tilespmem:s16+$0x3200] =	vst v3  }
.LBB2_37:
0x121: {  	(v2sf) =	vpush v4, $0xB;
	_ =	sdelay $0xe  }
0x122: {  	s14 =	spop (v2sf)  }
0x123: {  	p0 =	sne.s32 s14, $0x0  }
.Ltmp27:
0x124: {  	_ = 	snop;
	(pc) =	sbr.rel @p0 .LBB2_40-.Ltmp27, $1  }
0x125: {  	_ =	sdelay $0x3  }
0x126: {  	s14 =	simm.s32 $0x0  }
0x127: {  	s15 =	sand.u32 $0x70, s14;
	s16 =	sand.u32 $0x1C00, s14  }
0x128: {  	s16 =	sor.u32 s15, s16  }
0x129: {  	s15 =	simm.s32 $0x10;
	[tilespmem:s16+$0x3280] =	vst v3  }
.LBB2_39:
0x12a: {  	p0 =	sne.s32 s15, $0x2F0  }
.Ltmp28:
0x12b: {  	_ = 	snop;
	(pc) =	sbr.rel @p0 .LBB2_39-.Ltmp28, $4  }
0x12c: {  	s14 =	sadd.s32 $0x80, s14  }
0x12d: {  	s16 =	sand.u32 $0x70, s15;
	s17 =	sand.u32 $0x1C00, s14  }
0x12e: {  	s16 =	sor.u32 s16, s17  }
0x12f: {  	s15 =	sadd.s32 $0x10, s15;
	[tilespmem:s16+$0x3280] =	vst v3  }
.LBB2_40:
0x130: {  	(v2sf) =	vpush v4, $0xC;
	_ =	sdelay $0xe  }
0x131: {  	s14 =	spop (v2sf)  }
0x132: {  	p0 =	sne.s32 s14, $0x0  }
.Ltmp29:
0x133: {  	_ = 	snop;
	(pc) =	sbr.rel @p0 .LBB2_43-.Ltmp29, $1  }
0x134: {  	_ =	sdelay $0x3  }
0x135: {  	s14 =	simm.s32 $0x0  }
0x136: {  	s15 =	sand.u32 $0x70, s14;
	s16 =	sand.u32 $0x1C00, s14  }
0x137: {  	s16 =	sor.u32 s15, s16  }
0x138: {  	s15 =	simm.s32 $0x10;
	[tilespmem:s16+$0x3300] =	vst v3  }
.LBB2_42:
0x139: {  	p0 =	sne.s32 s15, $0x2F0  }
.Ltmp30:
0x13a: {  	_ = 	snop;
	(pc) =	sbr.rel @p0 .LBB2_42-.Ltmp30, $4  }
0x13b: {  	s14 =	sadd.s32 $0x80, s14  }
0x13c: {  	s16 =	sand.u32 $0x70, s15;
	s17 =	sand.u32 $0x1C00, s14  }
0x13d: {  	s16 =	sor.u32 s16, s17  }
0x13e: {  	s15 =	sadd.s32 $0x10, s15;
	[tilespmem:s16+$0x3300] =	vst v3  }
.LBB2_43:
0x13f: {  	(v2sf) =	vpush v4, $0xD;
	_ =	sdelay $0xe  }
0x140: {  	s14 =	spop (v2sf)  }
0x141: {  	p0 =	sne.s32 s14, $0x0  }
.Ltmp31:
0x142: {  	_ = 	snop;
	(pc) =	sbr.rel @p0 .LBB2_46-.Ltmp31, $1  }
0x143: {  	_ =	sdelay $0x3  }
0x144: {  	s14 =	simm.s32 $0x0  }
0x145: {  	s15 =	sand.u32 $0x70, s14;
	s16 =	sand.u32 $0x1C00, s14  }
0x146: {  	s16 =	sor.u32 s15, s16  }
0x147: {  	s15 =	simm.s32 $0x10;
	[tilespmem:s16+$0x3380] =	vst v3  }
.LBB2_45:
0x148: {  	p0 =	sne.s32 s15, $0x2F0  }
.Ltmp32:
0x149: {  	_ = 	snop;
	(pc) =	sbr.rel @p0 .LBB2_45-.Ltmp32, $4  }
0x14a: {  	s14 =	sadd.s32 $0x80, s14  }
0x14b: {  	s16 =	sand.u32 $0x70, s15;
	s17 =	sand.u32 $0x1C00, s14  }
0x14c: {  	s16 =	sor.u32 s16, s17  }
0x14d: {  	s15 =	sadd.s32 $0x10, s15;
	[tilespmem:s16+$0x3380] =	vst v3  }
.LBB2_46:
0x14e: {  	(v2sf) =	vpush v4, $0xE;
	_ =	sdelay $0xe  }
0x14f: {  	s14 =	spop (v2sf)  }
0x150: {  	p0 =	sne.s32 s14, $0x0  }
.Ltmp33:
0x151: {  	_ = 	snop;
	(pc) =	sbr.rel @p0 .LBB2_49-.Ltmp33, $1  }
0x152: {  	_ =	sdelay $0x3  }
0x153: {  	s14 =	simm.s32 $0x0  }
0x154: {  	s15 =	sand.u32 $0x70, s14;
	s16 =	sand.u32 $0x1C00, s14  }
0x155: {  	s16 =	sor.u32 s15, s16  }
0x156: {  	s15 =	simm.s32 $0x10;
	[tilespmem:s16+$0x3400] =	vst v3  }
.LBB2_48:
0x157: {  	p0 =	sne.s32 s15, $0x2F0  }
.Ltmp34:
0x158: {  	_ = 	snop;
	(pc) =	sbr.rel @p0 .LBB2_48-.Ltmp34, $4  }
0x159: {  	s14 =	sadd.s32 $0x80, s14  }
0x15a: {  	s16 =	sand.u32 $0x70, s15;
	s17 =	sand.u32 $0x1C00, s14  }
0x15b: {  	s16 =	sor.u32 s16, s17  }
0x15c: {  	s15 =	sadd.s32 $0x10, s15;
	[tilespmem:s16+$0x3400] =	vst v3  }
.LBB2_49:
0x15d: {  	(v2sf) =	vpush v4, $0xF;
	_ =	sdelay $0xe  }
0x15e: {  	s14 =	spop (v2sf)  }
0x15f: {  	p0 =	sne.s32 s14, $0x0  }
.Ltmp35:
0x160: {  	_ = 	snop;
	(pc) =	sbr.rel @p0 .LBB2_52-.Ltmp35, $1  }
0x161: {  	_ =	sdelay $0x3  }
0x162: {  	s14 =	simm.s32 $0x0  }
0x163: {  	s15 =	sand.u32 $0x70, s14;
	s16 =	sand.u32 $0x1C00, s14  }
0x164: {  	s16 =	sor.u32 s15, s16  }
0x165: {  	s15 =	simm.s32 $0x10;
	[tilespmem:s16+$0x3480] =	vst v3  }
.LBB2_51:
0x166: {  	p0 =	sne.s32 s15, $0x2F0  }
.Ltmp36:
0x167: {  	_ = 	snop;
	(pc) =	sbr.rel @p0 .LBB2_51-.Ltmp36, $4  }
0x168: {  	s14 =	sadd.s32 $0x80, s14  }
0x169: {  	s16 =	sand.u32 $0x70, s15;
	s17 =	sand.u32 $0x1C00, s14  }
0x16a: {  	s16 =	sor.u32 s16, s17  }
0x16b: {  	s15 =	sadd.s32 $0x10, s15;
	[tilespmem:s16+$0x3480] =	vst v3  }
.LBB2_52:
0x16c: {  	v4 =	vld [tilespmem:s13+$0x10];
	_ =	sdelay $0x4  }
0x16d: {  	vm1 =	veq.s32 v4, $0x0  }
0x16e: {  	v5 =	vmpcnt.ones.xlane vm1;
	_ =	sdelay $0x1  }
0x16f: {  	(v2sf) =	vpush v5, $0x0;
	_ =	sdelay $0xe  }
0x170: {  	s14 =	spop (v2sf)  }
0x171: {  	p0 =	slt.s32 s14, $0x1  }
.Ltmp37:
0x172: {  	_ = 	snop;
	(pc) =	sbr.rel @p0 .LBB2_101-.Ltmp37, $1  }
0x173: {  	_ =	sdelay $0x3  }
0x174: {  	(v2sf) =	vpush v4, $0x0;
	_ =	sdelay $0xe  }
0x175: {  	s14 =	spop (v2sf)  }
0x176: {  	p0 =	sne.s32 s14, $0x0  }
.Ltmp38:
0x177: {  	_ = 	snop;
	(pc) =	sbr.rel @p0 .LBB2_56-.Ltmp38, $1  }
0x178: {  	_ =	sdelay $0x3  }
0x179: {  	s14 =	simm.s32 $0x0  }
0x17a: {  	s15 =	sand.u32 $0x70, s14;
	s16 =	sand.u32 $0x1C00, s14  }
0x17b: {  	s16 =	sor.u32 s15, s16  }
0x17c: {  	s15 =	simm.s32 $0x10;
	[tilespmem:s16+$0x4900] =	vst v3  }
.LBB2_55:
0x17d: {  	p0 =	sne.s32 s15, $0x2F0  }
.Ltmp39:
0x17e: {  	_ = 	snop;
	(pc) =	sbr.rel @p0 .LBB2_55-.Ltmp39, $4  }
0x17f: {  	s14 =	sadd.s32 $0x80, s14  }
0x180: {  	s16 =	sand.u32 $0x70, s15;
	s17 =	sand.u32 $0x1C00, s14  }
0x181: {  	s16 =	sor.u32 s16, s17  }
0x182: {  	s15 =	sadd.s32 $0x10, s15;
	[tilespmem:s16+$0x4900] =	vst v3  }
.LBB2_56:
0x183: {  	(v2sf) =	vpush v4, $0x1;
	_ =	sdelay $0xe  }
0x184: {  	s14 =	spop (v2sf)  }
0x185: {  	p0 =	sne.s32 s14, $0x0  }
.Ltmp40:
0x186: {  	_ = 	snop;
	(pc) =	sbr.rel @p0 .LBB2_59-.Ltmp40, $1  }
0x187: {  	_ =	sdelay $0x3  }
0x188: {  	s14 =	simm.s32 $0x0  }
0x189: {  	s15 =	sand.u32 $0x70, s14;
	s16 =	sand.u32 $0x1C00, s14  }
0x18a: {  	s16 =	sor.u32 s15, s16  }
0x18b: {  	s15 =	simm.s32 $0x10;
	[tilespmem:s16+$0x4980] =	vst v3  }
.LBB2_58:
0x18c: {  	p0 =	sne.s32 s15, $0x2F0  }
.Ltmp41:
0x18d: {  	_ = 	snop;
	(pc) =	sbr.rel @p0 .LBB2_58-.Ltmp41, $4  }
0x18e: {  	s14 =	sadd.s32 $0x80, s14  }
0x18f: {  	s16 =	sand.u32 $0x70, s15;
	s17 =	sand.u32 $0x1C00, s14  }
0x190: {  	s16 =	sor.u32 s16, s17  }
0x191: {  	s15 =	sadd.s32 $0x10, s15;
	[tilespmem:s16+$0x4980] =	vst v3  }
.LBB2_59:
0x192: {  	(v2sf) =	vpush v4, $0x2;
	_ =	sdelay $0xe  }
0x193: {  	s14 =	spop (v2sf)  }
0x194: {  	p0 =	sne.s32 s14, $0x0  }
.Ltmp42:
0x195: {  	_ = 	snop;
	(pc) =	sbr.rel @p0 .LBB2_62-.Ltmp42, $1  }
0x196: {  	_ =	sdelay $0x3  }
0x197: {  	s14 =	simm.s32 $0x0  }
0x198: {  	s15 =	sand.u32 $0x70, s14;
	s16 =	sand.u32 $0x1C00, s14  }
0x199: {  	s16 =	sor.u32 s15, s16  }
0x19a: {  	s15 =	simm.s32 $0x10;
	[tilespmem:s16+$0x4A00] =	vst v3  }
.LBB2_61:
0x19b: {  	p0 =	sne.s32 s15, $0x2F0  }
.Ltmp43:
0x19c: {  	_ = 	snop;
	(pc) =	sbr.rel @p0 .LBB2_61-.Ltmp43, $4  }
0x19d: {  	s14 =	sadd.s32 $0x80, s14  }
0x19e: {  	s16 =	sand.u32 $0x70, s15;
	s17 =	sand.u32 $0x1C00, s14  }
0x19f: {  	s16 =	sor.u32 s16, s17  }
0x1a0: {  	s15 =	sadd.s32 $0x10, s15;
	[tilespmem:s16+$0x4A00] =	vst v3  }
.LBB2_62:
0x1a1: {  	(v2sf) =	vpush v4, $0x3;
	_ =	sdelay $0xe  }
0x1a2: {  	s14 =	spop (v2sf)  }
0x1a3: {  	p0 =	sne.s32 s14, $0x0  }
.Ltmp44:
0x1a4: {  	_ = 	snop;
	(pc) =	sbr.rel @p0 .LBB2_65-.Ltmp44, $1  }
0x1a5: {  	_ =	sdelay $0x3  }
0x1a6: {  	s14 =	simm.s32 $0x0  }
0x1a7: {  	s15 =	sand.u32 $0x70, s14;
	s16 =	sand.u32 $0x1C00, s14  }
0x1a8: {  	s16 =	sor.u32 s15, s16  }
0x1a9: {  	s15 =	simm.s32 $0x10;
	[tilespmem:s16+$0x4A80] =	vst v3  }
.LBB2_64:
0x1aa: {  	p0 =	sne.s32 s15, $0x2F0  }
.Ltmp45:
0x1ab: {  	_ = 	snop;
	(pc) =	sbr.rel @p0 .LBB2_64-.Ltmp45, $4  }
0x1ac: {  	s14 =	sadd.s32 $0x80, s14  }
0x1ad: {  	s16 =	sand.u32 $0x70, s15;
	s17 =	sand.u32 $0x1C00, s14  }
0x1ae: {  	s16 =	sor.u32 s16, s17  }
0x1af: {  	s15 =	sadd.s32 $0x10, s15;
	[tilespmem:s16+$0x4A80] =	vst v3  }
.LBB2_65:
0x1b0: {  	(v2sf) =	vpush v4, $0x4;
	_ =	sdelay $0xe  }
0x1b1: {  	s14 =	spop (v2sf)  }
0x1b2: {  	p0 =	sne.s32 s14, $0x0  }
.Ltmp46:
0x1b3: {  	_ = 	snop;
	(pc) =	sbr.rel @p0 .LBB2_68-.Ltmp46, $1  }
0x1b4: {  	_ =	sdelay $0x3  }
0x1b5: {  	s14 =	simm.s32 $0x0  }
0x1b6: {  	s15 =	sand.u32 $0x70, s14;
	s16 =	sand.u32 $0x1C00, s14  }
0x1b7: {  	s16 =	sor.u32 s15, s16  }
0x1b8: {  	s15 =	simm.s32 $0x10;
	[tilespmem:s16+$0x4B00] =	vst v3  }
.LBB2_67:
0x1b9: {  	p0 =	sne.s32 s15, $0x2F0  }
.Ltmp47:
0x1ba: {  	_ = 	snop;
	(pc) =	sbr.rel @p0 .LBB2_67-.Ltmp47, $4  }
0x1bb: {  	s14 =	sadd.s32 $0x80, s14  }
0x1bc: {  	s16 =	sand.u32 $0x70, s15;
	s17 =	sand.u32 $0x1C00, s14  }
0x1bd: {  	s16 =	sor.u32 s16, s17  }
0x1be: {  	s15 =	sadd.s32 $0x10, s15;
	[tilespmem:s16+$0x4B00] =	vst v3  }
.LBB2_68:
0x1bf: {  	(v2sf) =	vpush v4, $0x5;
	_ =	sdelay $0xe  }
0x1c0: {  	s14 =	spop (v2sf)  }
0x1c1: {  	p0 =	sne.s32 s14, $0x0  }
.Ltmp48:
0x1c2: {  	_ = 	snop;
	(pc) =	sbr.rel @p0 .LBB2_71-.Ltmp48, $1  }
0x1c3: {  	_ =	sdelay $0x3  }
0x1c4: {  	s14 =	simm.s32 $0x0  }
0x1c5: {  	s15 =	sand.u32 $0x70, s14;
	s16 =	sand.u32 $0x1C00, s14  }
0x1c6: {  	s16 =	sor.u32 s15, s16  }
0x1c7: {  	s15 =	simm.s32 $0x10;
	[tilespmem:s16+$0x4B80] =	vst v3  }
.LBB2_70:
0x1c8: {  	p0 =	sne.s32 s15, $0x2F0  }
.Ltmp49:
0x1c9: {  	_ = 	snop;
	(pc) =	sbr.rel @p0 .LBB2_70-.Ltmp49, $4  }
0x1ca: {  	s14 =	sadd.s32 $0x80, s14  }
0x1cb: {  	s16 =	sand.u32 $0x70, s15;
	s17 =	sand.u32 $0x1C00, s14  }
0x1cc: {  	s16 =	sor.u32 s16, s17  }
0x1cd: {  	s15 =	sadd.s32 $0x10, s15;
	[tilespmem:s16+$0x4B80] =	vst v3  }
.LBB2_71:
0x1ce: {  	(v2sf) =	vpush v4, $0x6;
	_ =	sdelay $0xe  }
0x1cf: {  	s14 =	spop (v2sf)  }
0x1d0: {  	p0 =	sne.s32 s14, $0x0  }
.Ltmp50:
0x1d1: {  	_ = 	snop;
	(pc) =	sbr.rel @p0 .LBB2_74-.Ltmp50, $1  }
0x1d2: {  	_ =	sdelay $0x3  }
0x1d3: {  	s14 =	simm.s32 $0x0  }
0x1d4: {  	s15 =	sand.u32 $0x70, s14;
	s16 =	sand.u32 $0x1C00, s14  }
0x1d5: {  	s16 =	sor.u32 s15, s16  }
0x1d6: {  	s15 =	simm.s32 $0x10;
	[tilespmem:s16+$0x4C00] =	vst v3  }
.LBB2_73:
0x1d7: {  	p0 =	sne.s32 s15, $0x2F0  }
.Ltmp51:
0x1d8: {  	_ = 	snop;
	(pc) =	sbr.rel @p0 .LBB2_73-.Ltmp51, $4  }
0x1d9: {  	s14 =	sadd.s32 $0x80, s14  }
0x1da: {  	s16 =	sand.u32 $0x70, s15;
	s17 =	sand.u32 $0x1C00, s14  }
0x1db: {  	s16 =	sor.u32 s16, s17  }
0x1dc: {  	s15 =	sadd.s32 $0x10, s15;
	[tilespmem:s16+$0x4C00] =	vst v3  }
.LBB2_74:
0x1dd: {  	(v2sf) =	vpush v4, $0x7;
	_ =	sdelay $0xe  }
0x1de: {  	s14 =	spop (v2sf)  }
0x1df: {  	p0 =	sne.s32 s14, $0x0  }
.Ltmp52:
0x1e0: {  	_ = 	snop;
	(pc) =	sbr.rel @p0 .LBB2_77-.Ltmp52, $1  }
0x1e1: {  	_ =	sdelay $0x3  }
0x1e2: {  	s14 =	simm.s32 $0x0  }
0x1e3: {  	s15 =	sand.u32 $0x70, s14;
	s16 =	sand.u32 $0x1C00, s14  }
0x1e4: {  	s16 =	sor.u32 s15, s16  }
0x1e5: {  	s15 =	simm.s32 $0x10;
	[tilespmem:s16+$0x4C80] =	vst v3  }
.LBB2_76:
0x1e6: {  	p0 =	sne.s32 s15, $0x2F0  }
.Ltmp53:
0x1e7: {  	_ = 	snop;
	(pc) =	sbr.rel @p0 .LBB2_76-.Ltmp53, $4  }
0x1e8: {  	s14 =	sadd.s32 $0x80, s14  }
0x1e9: {  	s16 =	sand.u32 $0x70, s15;
	s17 =	sand.u32 $0x1C00, s14  }
0x1ea: {  	s16 =	sor.u32 s16, s17  }
0x1eb: {  	s15 =	sadd.s32 $0x10, s15;
	[tilespmem:s16+$0x4C80] =	vst v3  }
.LBB2_77:
0x1ec: {  	(v2sf) =	vpush v4, $0x8;
	_ =	sdelay $0xe  }
0x1ed: {  	s14 =	spop (v2sf)  }
0x1ee: {  	p0 =	sne.s32 s14, $0x0  }
.Ltmp54:
0x1ef: {  	_ = 	snop;
	(pc) =	sbr.rel @p0 .LBB2_80-.Ltmp54, $1  }
0x1f0: {  	_ =	sdelay $0x3  }
0x1f1: {  	s14 =	simm.s32 $0x0  }
0x1f2: {  	s15 =	sand.u32 $0x70, s14;
	s16 =	sand.u32 $0x1C00, s14  }
0x1f3: {  	s16 =	sor.u32 s15, s16  }
0x1f4: {  	s15 =	simm.s32 $0x10;
	[tilespmem:s16+$0x6100] =	vst v3  }
.LBB2_79:
0x1f5: {  	p0 =	sne.s32 s15, $0x2F0  }
.Ltmp55:
0x1f6: {  	_ = 	snop;
	(pc) =	sbr.rel @p0 .LBB2_79-.Ltmp55, $4  }
0x1f7: {  	s14 =	sadd.s32 $0x80, s14  }
0x1f8: {  	s16 =	sand.u32 $0x70, s15;
	s17 =	sand.u32 $0x1C00, s14  }
0x1f9: {  	s16 =	sor.u32 s16, s17  }
0x1fa: {  	s15 =	sadd.s32 $0x10, s15;
	[tilespmem:s16+$0x6100] =	vst v3  }
.LBB2_80:
0x1fb: {  	(v2sf) =	vpush v4, $0x9;
	_ =	sdelay $0xe  }
0x1fc: {  	s14 =	spop (v2sf)  }
0x1fd: {  	p0 =	sne.s32 s14, $0x0  }
.Ltmp56:
0x1fe: {  	_ = 	snop;
	(pc) =	sbr.rel @p0 .LBB2_83-.Ltmp56, $1  }
0x1ff: {  	_ =	sdelay $0x3  }
0x200: {  	s14 =	simm.s32 $0x0  }
0x201: {  	s15 =	sand.u32 $0x70, s14;
	s16 =	sand.u32 $0x1C00, s14  }
0x202: {  	s16 =	sor.u32 s15, s16  }
0x203: {  	s15 =	simm.s32 $0x10;
	[tilespmem:s16+$0x6180] =	vst v3  }
.LBB2_82:
0x204: {  	p0 =	sne.s32 s15, $0x2F0  }
.Ltmp57:
0x205: {  	_ = 	snop;
	(pc) =	sbr.rel @p0 .LBB2_82-.Ltmp57, $4  }
0x206: {  	s14 =	sadd.s32 $0x80, s14  }
0x207: {  	s16 =	sand.u32 $0x70, s15;
	s17 =	sand.u32 $0x1C00, s14  }
0x208: {  	s16 =	sor.u32 s16, s17  }
0x209: {  	s15 =	sadd.s32 $0x10, s15;
	[tilespmem:s16+$0x6180] =	vst v3  }
.LBB2_83:
0x20a: {  	(v2sf) =	vpush v4, $0xA;
	_ =	sdelay $0xe  }
0x20b: {  	s14 =	spop (v2sf)  }
0x20c: {  	p0 =	sne.s32 s14, $0x0  }
.Ltmp58:
0x20d: {  	_ = 	snop;
	(pc) =	sbr.rel @p0 .LBB2_86-.Ltmp58, $1  }
0x20e: {  	_ =	sdelay $0x3  }
0x20f: {  	s14 =	simm.s32 $0x0  }
0x210: {  	s15 =	sand.u32 $0x70, s14;
	s16 =	sand.u32 $0x1C00, s14  }
0x211: {  	s16 =	sor.u32 s15, s16  }
0x212: {  	s15 =	simm.s32 $0x10;
	[tilespmem:s16+$0x6200] =	vst v3  }
.LBB2_85:
0x213: {  	p0 =	sne.s32 s15, $0x2F0  }
.Ltmp59:
0x214: {  	_ = 	snop;
	(pc) =	sbr.rel @p0 .LBB2_85-.Ltmp59, $4  }
0x215: {  	s14 =	sadd.s32 $0x80, s14  }
0x216: {  	s16 =	sand.u32 $0x70, s15;
	s17 =	sand.u32 $0x1C00, s14  }
0x217: {  	s16 =	sor.u32 s16, s17  }
0x218: {  	s15 =	sadd.s32 $0x10, s15;
	[tilespmem:s16+$0x6200] =	vst v3  }
.LBB2_86:
0x219: {  	(v2sf) =	vpush v4, $0xB;
	_ =	sdelay $0xe  }
0x21a: {  	s14 =	spop (v2sf)  }
0x21b: {  	p0 =	sne.s32 s14, $0x0  }
.Ltmp60:
0x21c: {  	_ = 	snop;
	(pc) =	sbr.rel @p0 .LBB2_89-.Ltmp60, $1  }
0x21d: {  	_ =	sdelay $0x3  }
0x21e: {  	s14 =	simm.s32 $0x0  }
0x21f: {  	s15 =	sand.u32 $0x70, s14;
	s16 =	sand.u32 $0x1C00, s14  }
0x220: {  	s16 =	sor.u32 s15, s16  }
0x221: {  	s15 =	simm.s32 $0x10;
	[tilespmem:s16+$0x6280] =	vst v3  }
.LBB2_88:
0x222: {  	p0 =	sne.s32 s15, $0x2F0  }
.Ltmp61:
0x223: {  	_ = 	snop;
	(pc) =	sbr.rel @p0 .LBB2_88-.Ltmp61, $4  }
0x224: {  	s14 =	sadd.s32 $0x80, s14  }
0x225: {  	s16 =	sand.u32 $0x70, s15;
	s17 =	sand.u32 $0x1C00, s14  }
0x226: {  	s16 =	sor.u32 s16, s17  }
0x227: {  	s15 =	sadd.s32 $0x10, s15;
	[tilespmem:s16+$0x6280] =	vst v3  }
.LBB2_89:
0x228: {  	(v2sf) =	vpush v4, $0xC;
	_ =	sdelay $0xe  }
0x229: {  	s14 =	spop (v2sf)  }
0x22a: {  	p0 =	sne.s32 s14, $0x0  }
.Ltmp62:
0x22b: {  	_ = 	snop;
	(pc) =	sbr.rel @p0 .LBB2_92-.Ltmp62, $1  }
0x22c: {  	_ =	sdelay $0x3  }
0x22d: {  	s14 =	simm.s32 $0x0  }
0x22e: {  	s15 =	sand.u32 $0x70, s14;
	s16 =	sand.u32 $0x1C00, s14  }
0x22f: {  	s16 =	sor.u32 s15, s16  }
0x230: {  	s15 =	simm.s32 $0x10;
	[tilespmem:s16+$0x6300] =	vst v3  }
.LBB2_91:
0x231: {  	p0 =	sne.s32 s15, $0x2F0  }
.Ltmp63:
0x232: {  	_ = 	snop;
	(pc) =	sbr.rel @p0 .LBB2_91-.Ltmp63, $4  }
0x233: {  	s14 =	sadd.s32 $0x80, s14  }
0x234: {  	s16 =	sand.u32 $0x70, s15;
	s17 =	sand.u32 $0x1C00, s14  }
0x235: {  	s16 =	sor.u32 s16, s17  }
0x236: {  	s15 =	sadd.s32 $0x10, s15;
	[tilespmem:s16+$0x6300] =	vst v3  }
.LBB2_92:
0x237: {  	(v2sf) =	vpush v4, $0xD;
	_ =	sdelay $0xe  }
0x238: {  	s14 =	spop (v2sf)  }
0x239: {  	p0 =	sne.s32 s14, $0x0  }
.Ltmp64:
0x23a: {  	_ = 	snop;
	(pc) =	sbr.rel @p0 .LBB2_95-.Ltmp64, $1  }
0x23b: {  	_ =	sdelay $0x3  }
0x23c: {  	s14 =	simm.s32 $0x0  }
0x23d: {  	s15 =	sand.u32 $0x70, s14;
	s16 =	sand.u32 $0x1C00, s14  }
0x23e: {  	s16 =	sor.u32 s15, s16  }
0x23f: {  	s15 =	simm.s32 $0x10;
	[tilespmem:s16+$0x6380] =	vst v3  }
.LBB2_94:
0x240: {  	p0 =	sne.s32 s15, $0x2F0  }
.Ltmp65:
0x241: {  	_ = 	snop;
	(pc) =	sbr.rel @p0 .LBB2_94-.Ltmp65, $4  }
0x242: {  	s14 =	sadd.s32 $0x80, s14  }
0x243: {  	s16 =	sand.u32 $0x70, s15;
	s17 =	sand.u32 $0x1C00, s14  }
0x244: {  	s16 =	sor.u32 s16, s17  }
0x245: {  	s15 =	sadd.s32 $0x10, s15;
	[tilespmem:s16+$0x6380] =	vst v3  }
.LBB2_95:
0x246: {  	(v2sf) =	vpush v4, $0xE;
	_ =	sdelay $0xe  }
0x247: {  	s14 =	spop (v2sf)  }
0x248: {  	p0 =	sne.s32 s14, $0x0  }
.Ltmp66:
0x249: {  	_ = 	snop;
	(pc) =	sbr.rel @p0 .LBB2_98-.Ltmp66, $1  }
0x24a: {  	_ =	sdelay $0x3  }
0x24b: {  	s14 =	simm.s32 $0x0  }
0x24c: {  	s15 =	sand.u32 $0x70, s14;
	s16 =	sand.u32 $0x1C00, s14  }
0x24d: {  	s16 =	sor.u32 s15, s16  }
0x24e: {  	s15 =	simm.s32 $0x10;
	[tilespmem:s16+$0x6400] =	vst v3  }
.LBB2_97:
0x24f: {  	p0 =	sne.s32 s15, $0x2F0  }
.Ltmp67:
0x250: {  	_ = 	snop;
	(pc) =	sbr.rel @p0 .LBB2_97-.Ltmp67, $4  }
0x251: {  	s14 =	sadd.s32 $0x80, s14  }
0x252: {  	s16 =	sand.u32 $0x70, s15;
	s17 =	sand.u32 $0x1C00, s14  }
0x253: {  	s16 =	sor.u32 s16, s17  }
0x254: {  	s15 =	sadd.s32 $0x10, s15;
	[tilespmem:s16+$0x6400] =	vst v3  }
.LBB2_98:
0x255: {  	(v2sf) =	vpush v4, $0xF;
	_ =	sdelay $0xe  }
0x256: {  	s14 =	spop (v2sf)  }
0x257: {  	p0 =	sne.s32 s14, $0x0  }
.Ltmp68:
0x258: {  	_ = 	snop;
	(pc) =	sbr.rel @p0 .LBB2_101-.Ltmp68, $1  }
0x259: {  	_ =	sdelay $0x3  }
0x25a: {  	s14 =	simm.s32 $0x0  }
0x25b: {  	s15 =	sand.u32 $0x70, s14;
	s16 =	sand.u32 $0x1C00, s14  }
0x25c: {  	s16 =	sor.u32 s15, s16  }
0x25d: {  	s15 =	simm.s32 $0x10;
	[tilespmem:s16+$0x6480] =	vst v3  }
.LBB2_100:
0x25e: {  	p0 =	sne.s32 s15, $0x2F0  }
.Ltmp69:
0x25f: {  	_ = 	snop;
	(pc) =	sbr.rel @p0 .LBB2_100-.Ltmp69, $4  }
0x260: {  	s14 =	sadd.s32 $0x80, s14  }
0x261: {  	s16 =	sand.u32 $0x70, s15;
	s17 =	sand.u32 $0x1C00, s14  }
0x262: {  	s16 =	sor.u32 s16, s17  }
0x263: {  	s15 =	sadd.s32 $0x10, s15;
	[tilespmem:s16+$0x6480] =	vst v3  }
.LBB2_101:
0x264: {  	v4 =	vld [tilespmem:s13+$0x20];
	_ =	sdelay $0x4  }
0x265: {  	vm1 =	veq.s32 v4, $0x0  }
0x266: {  	v5 =	vmpcnt.ones.xlane vm1;
	_ =	sdelay $0x1  }
0x267: {  	(v2sf) =	vpush v5, $0x0;
	_ =	sdelay $0xe  }
0x268: {  	s14 =	spop (v2sf)  }
0x269: {  	p0 =	slt.s32 s14, $0x1  }
.Ltmp70:
0x26a: {  	_ = 	snop;
	(pc) =	sbr.rel @p0 .LBB2_150-.Ltmp70, $1  }
0x26b: {  	_ =	sdelay $0x3  }
0x26c: {  	(v2sf) =	vpush v4, $0x0;
	_ =	sdelay $0xe  }
0x26d: {  	s14 =	spop (v2sf)  }
0x26e: {  	p0 =	sne.s32 s14, $0x0  }
.Ltmp71:
0x26f: {  	_ = 	snop;
	(pc) =	sbr.rel @p0 .LBB2_105-.Ltmp71, $1  }
0x270: {  	_ =	sdelay $0x3  }
0x271: {  	s14 =	simm.s32 $0x0  }
0x272: {  	s15 =	sand.u32 $0x70, s14;
	s16 =	sand.u32 $0x1C00, s14  }
0x273: {  	s16 =	sor.u32 s15, s16  }
0x274: {  	s15 =	simm.s32 $0x10;
	[tilespmem:s16+$0x7900] =	vst v3  }
.LBB2_104:
0x275: {  	p0 =	sne.s32 s15, $0x2F0  }
.Ltmp72:
0x276: {  	_ = 	snop;
	(pc) =	sbr.rel @p0 .LBB2_104-.Ltmp72, $4  }
0x277: {  	s14 =	sadd.s32 $0x80, s14  }
0x278: {  	s16 =	sand.u32 $0x70, s15;
	s17 =	sand.u32 $0x1C00, s14  }
0x279: {  	s16 =	sor.u32 s16, s17  }
0x27a: {  	s15 =	sadd.s32 $0x10, s15;
	[tilespmem:s16+$0x7900] =	vst v3  }
.LBB2_105:
0x27b: {  	(v2sf) =	vpush v4, $0x1;
	_ =	sdelay $0xe  }
0x27c: {  	s14 =	spop (v2sf)  }
0x27d: {  	p0 =	sne.s32 s14, $0x0  }
.Ltmp73:
0x27e: {  	_ = 	snop;
	(pc) =	sbr.rel @p0 .LBB2_108-.Ltmp73, $1  }
0x27f: {  	_ =	sdelay $0x3  }
0x280: {  	s14 =	simm.s32 $0x0  }
0x281: {  	s15 =	sand.u32 $0x70, s14;
	s16 =	sand.u32 $0x1C00, s14  }
0x282: {  	s16 =	sor.u32 s15, s16  }
0x283: {  	s15 =	simm.s32 $0x10;
	[tilespmem:s16+$0x7980] =	vst v3  }
.LBB2_107:
0x284: {  	p0 =	sne.s32 s15, $0x2F0  }
.Ltmp74:
0x285: {  	_ = 	snop;
	(pc) =	sbr.rel @p0 .LBB2_107-.Ltmp74, $4  }
0x286: {  	s14 =	sadd.s32 $0x80, s14  }
0x287: {  	s16 =	sand.u32 $0x70, s15;
	s17 =	sand.u32 $0x1C00, s14  }
0x288: {  	s16 =	sor.u32 s16, s17  }
0x289: {  	s15 =	sadd.s32 $0x10, s15;
	[tilespmem:s16+$0x7980] =	vst v3  }
.LBB2_108:
0x28a: {  	(v2sf) =	vpush v4, $0x2;
	_ =	sdelay $0xe  }
0x28b: {  	s14 =	spop (v2sf)  }
0x28c: {  	p0 =	sne.s32 s14, $0x0  }
.Ltmp75:
0x28d: {  	_ = 	snop;
	(pc) =	sbr.rel @p0 .LBB2_111-.Ltmp75, $1  }
0x28e: {  	_ =	sdelay $0x3  }
0x28f: {  	s14 =	simm.s32 $0x0  }
0x290: {  	s15 =	sand.u32 $0x70, s14;
	s16 =	sand.u32 $0x1C00, s14  }
0x291: {  	s16 =	sor.u32 s15, s16  }
0x292: {  	s15 =	simm.s32 $0x10;
	[tilespmem:s16+$0x7A00] =	vst v3  }
.LBB2_110:
0x293: {  	p0 =	sne.s32 s15, $0x2F0  }
.Ltmp76:
0x294: {  	_ = 	snop;
	(pc) =	sbr.rel @p0 .LBB2_110-.Ltmp76, $4  }
0x295: {  	s14 =	sadd.s32 $0x80, s14  }
0x296: {  	s16 =	sand.u32 $0x70, s15;
	s17 =	sand.u32 $0x1C00, s14  }
0x297: {  	s16 =	sor.u32 s16, s17  }
0x298: {  	s15 =	sadd.s32 $0x10, s15;
	[tilespmem:s16+$0x7A00] =	vst v3  }
.LBB2_111:
0x299: {  	(v2sf) =	vpush v4, $0x3;
	_ =	sdelay $0xe  }
0x29a: {  	s14 =	spop (v2sf)  }
0x29b: {  	p0 =	sne.s32 s14, $0x0  }
.Ltmp77:
0x29c: {  	_ = 	snop;
	(pc) =	sbr.rel @p0 .LBB2_114-.Ltmp77, $1  }
0x29d: {  	_ =	sdelay $0x3  }
0x29e: {  	s14 =	simm.s32 $0x0  }
0x29f: {  	s15 =	sand.u32 $0x70, s14;
	s16 =	sand.u32 $0x1C00, s14  }
0x2a0: {  	s16 =	sor.u32 s15, s16  }
0x2a1: {  	s15 =	simm.s32 $0x10;
	[tilespmem:s16+$0x7A80] =	vst v3  }
.LBB2_113:
0x2a2: {  	p0 =	sne.s32 s15, $0x2F0  }
.Ltmp78:
0x2a3: {  	_ = 	snop;
	(pc) =	sbr.rel @p0 .LBB2_113-.Ltmp78, $4  }
0x2a4: {  	s14 =	sadd.s32 $0x80, s14  }
0x2a5: {  	s16 =	sand.u32 $0x70, s15;
	s17 =	sand.u32 $0x1C00, s14  }
0x2a6: {  	s16 =	sor.u32 s16, s17  }
0x2a7: {  	s15 =	sadd.s32 $0x10, s15;
	[tilespmem:s16+$0x7A80] =	vst v3  }
.LBB2_114:
0x2a8: {  	(v2sf) =	vpush v4, $0x4;
	_ =	sdelay $0xe  }
0x2a9: {  	s14 =	spop (v2sf)  }
0x2aa: {  	p0 =	sne.s32 s14, $0x0  }
.Ltmp79:
0x2ab: {  	_ = 	snop;
	(pc) =	sbr.rel @p0 .LBB2_117-.Ltmp79, $1  }
0x2ac: {  	_ =	sdelay $0x3  }
0x2ad: {  	s14 =	simm.s32 $0x0  }
0x2ae: {  	s15 =	sand.u32 $0x70, s14;
	s16 =	sand.u32 $0x1C00, s14  }
0x2af: {  	s16 =	sor.u32 s15, s16  }
0x2b0: {  	s15 =	simm.s32 $0x10;
	[tilespmem:s16+$0x7B00] =	vst v3  }
.LBB2_116:
0x2b1: {  	p0 =	sne.s32 s15, $0x2F0  }
.Ltmp80:
0x2b2: {  	_ = 	snop;
	(pc) =	sbr.rel @p0 .LBB2_116-.Ltmp80, $4  }
0x2b3: {  	s14 =	sadd.s32 $0x80, s14  }
0x2b4: {  	s16 =	sand.u32 $0x70, s15;
	s17 =	sand.u32 $0x1C00, s14  }
0x2b5: {  	s16 =	sor.u32 s16, s17  }
0x2b6: {  	s15 =	sadd.s32 $0x10, s15;
	[tilespmem:s16+$0x7B00] =	vst v3  }
.LBB2_117:
0x2b7: {  	(v2sf) =	vpush v4, $0x5;
	_ =	sdelay $0xe  }
0x2b8: {  	s14 =	spop (v2sf)  }
0x2b9: {  	p0 =	sne.s32 s14, $0x0  }
.Ltmp81:
0x2ba: {  	_ = 	snop;
	(pc) =	sbr.rel @p0 .LBB2_120-.Ltmp81, $1  }
0x2bb: {  	_ =	sdelay $0x3  }
0x2bc: {  	s14 =	simm.s32 $0x0  }
0x2bd: {  	s15 =	sand.u32 $0x70, s14;
	s16 =	sand.u32 $0x1C00, s14  }
0x2be: {  	s16 =	sor.u32 s15, s16  }
0x2bf: {  	s15 =	simm.s32 $0x10;
	[tilespmem:s16+$0x7B80] =	vst v3  }
.LBB2_119:
0x2c0: {  	p0 =	sne.s32 s15, $0x2F0  }
.Ltmp82:
0x2c1: {  	_ = 	snop;
	(pc) =	sbr.rel @p0 .LBB2_119-.Ltmp82, $4  }
0x2c2: {  	s14 =	sadd.s32 $0x80, s14  }
0x2c3: {  	s16 =	sand.u32 $0x70, s15;
	s17 =	sand.u32 $0x1C00, s14  }
0x2c4: {  	s16 =	sor.u32 s16, s17  }
0x2c5: {  	s15 =	sadd.s32 $0x10, s15;
	[tilespmem:s16+$0x7B80] =	vst v3  }
.LBB2_120:
0x2c6: {  	(v2sf) =	vpush v4, $0x6;
	_ =	sdelay $0xe  }
0x2c7: {  	s14 =	spop (v2sf)  }
0x2c8: {  	p0 =	sne.s32 s14, $0x0  }
.Ltmp83:
0x2c9: {  	_ = 	snop;
	(pc) =	sbr.rel @p0 .LBB2_123-.Ltmp83, $1  }
0x2ca: {  	_ =	sdelay $0x3  }
0x2cb: {  	s14 =	simm.s32 $0x0  }
0x2cc: {  	s15 =	sand.u32 $0x70, s14;
	s16 =	sand.u32 $0x1C00, s14  }
0x2cd: {  	s16 =	sor.u32 s15, s16  }
0x2ce: {  	s15 =	simm.s32 $0x10;
	[tilespmem:s16+$0x7C00] =	vst v3  }
.LBB2_122:
0x2cf: {  	p0 =	sne.s32 s15, $0x2F0  }
.Ltmp84:
0x2d0: {  	_ = 	snop;
	(pc) =	sbr.rel @p0 .LBB2_122-.Ltmp84, $4  }
0x2d1: {  	s14 =	sadd.s32 $0x80, s14  }
0x2d2: {  	s16 =	sand.u32 $0x70, s15;
	s17 =	sand.u32 $0x1C00, s14  }
0x2d3: {  	s16 =	sor.u32 s16, s17  }
0x2d4: {  	s15 =	sadd.s32 $0x10, s15;
	[tilespmem:s16+$0x7C00] =	vst v3  }
.LBB2_123:
0x2d5: {  	(v2sf) =	vpush v4, $0x7;
	_ =	sdelay $0xe  }
0x2d6: {  	s14 =	spop (v2sf)  }
0x2d7: {  	p0 =	sne.s32 s14, $0x0  }
.Ltmp85:
0x2d8: {  	_ = 	snop;
	(pc) =	sbr.rel @p0 .LBB2_126-.Ltmp85, $1  }
0x2d9: {  	_ =	sdelay $0x3  }
0x2da: {  	s14 =	simm.s32 $0x0  }
0x2db: {  	s15 =	sand.u32 $0x70, s14;
	s16 =	sand.u32 $0x1C00, s14  }
0x2dc: {  	s16 =	sor.u32 s15, s16  }
0x2dd: {  	s15 =	simm.s32 $0x10;
	[tilespmem:s16+$0x7C80] =	vst v3  }
.LBB2_125:
0x2de: {  	p0 =	sne.s32 s15, $0x2F0  }
.Ltmp86:
0x2df: {  	_ = 	snop;
	(pc) =	sbr.rel @p0 .LBB2_125-.Ltmp86, $4  }
0x2e0: {  	s14 =	sadd.s32 $0x80, s14  }
0x2e1: {  	s16 =	sand.u32 $0x70, s15;
	s17 =	sand.u32 $0x1C00, s14  }
0x2e2: {  	s16 =	sor.u32 s16, s17  }
0x2e3: {  	s15 =	sadd.s32 $0x10, s15;
	[tilespmem:s16+$0x7C80] =	vst v3  }
.LBB2_126:
0x2e4: {  	(v2sf) =	vpush v4, $0x8;
	_ =	sdelay $0xe  }
0x2e5: {  	s14 =	spop (v2sf)  }
0x2e6: {  	p0 =	sne.s32 s14, $0x0  }
.Ltmp87:
0x2e7: {  	_ = 	snop;
	(pc) =	sbr.rel @p0 .LBB2_129-.Ltmp87, $1  }
0x2e8: {  	_ =	sdelay $0x3  }
0x2e9: {  	s14 =	simm.s32 $0x0  }
0x2ea: {  	s15 =	sand.u32 $0x70, s14;
	s16 =	sand.u32 $0x1C00, s14  }
0x2eb: {  	s16 =	sor.u32 s15, s16  }
0x2ec: {  	s15 =	simm.s32 $0x10;
	[tilespmem:s16+$0x9100] =	vst v3  }
.LBB2_128:
0x2ed: {  	p0 =	sne.s32 s15, $0x2F0  }
.Ltmp88:
0x2ee: {  	_ = 	snop;
	(pc) =	sbr.rel @p0 .LBB2_128-.Ltmp88, $4  }
0x2ef: {  	s14 =	sadd.s32 $0x80, s14  }
0x2f0: {  	s16 =	sand.u32 $0x70, s15;
	s17 =	sand.u32 $0x1C00, s14  }
0x2f1: {  	s16 =	sor.u32 s16, s17  }
0x2f2: {  	s15 =	sadd.s32 $0x10, s15;
	[tilespmem:s16+$0x9100] =	vst v3  }
.LBB2_129:
0x2f3: {  	(v2sf) =	vpush v4, $0x9;
	_ =	sdelay $0xe  }
0x2f4: {  	s14 =	spop (v2sf)  }
0x2f5: {  	p0 =	sne.s32 s14, $0x0  }
.Ltmp89:
0x2f6: {  	_ = 	snop;
	(pc) =	sbr.rel @p0 .LBB2_132-.Ltmp89, $1  }
0x2f7: {  	_ =	sdelay $0x3  }
0x2f8: {  	s14 =	simm.s32 $0x0  }
0x2f9: {  	s15 =	sand.u32 $0x70, s14;
	s16 =	sand.u32 $0x1C00, s14  }
0x2fa: {  	s16 =	sor.u32 s15, s16  }
0x2fb: {  	s15 =	simm.s32 $0x10;
	[tilespmem:s16+$0x9180] =	vst v3  }
.LBB2_131:
0x2fc: {  	p0 =	sne.s32 s15, $0x2F0  }
.Ltmp90:
0x2fd: {  	_ = 	snop;
	(pc) =	sbr.rel @p0 .LBB2_131-.Ltmp90, $4  }
0x2fe: {  	s14 =	sadd.s32 $0x80, s14  }
0x2ff: {  	s16 =	sand.u32 $0x70, s15;
	s17 =	sand.u32 $0x1C00, s14  }
0x300: {  	s16 =	sor.u32 s16, s17  }
0x301: {  	s15 =	sadd.s32 $0x10, s15;
	[tilespmem:s16+$0x9180] =	vst v3  }
.LBB2_132:
0x302: {  	(v2sf) =	vpush v4, $0xA;
	_ =	sdelay $0xe  }
0x303: {  	s14 =	spop (v2sf)  }
0x304: {  	p0 =	sne.s32 s14, $0x0  }
.Ltmp91:
0x305: {  	_ = 	snop;
	(pc) =	sbr.rel @p0 .LBB2_135-.Ltmp91, $1  }
0x306: {  	_ =	sdelay $0x3  }
0x307: {  	s14 =	simm.s32 $0x0  }
0x308: {  	s15 =	sand.u32 $0x70, s14;
	s16 =	sand.u32 $0x1C00, s14  }
0x309: {  	s16 =	sor.u32 s15, s16  }
0x30a: {  	s15 =	simm.s32 $0x10;
	[tilespmem:s16+$0x9200] =	vst v3  }
.LBB2_134:
0x30b: {  	p0 =	sne.s32 s15, $0x2F0  }
.Ltmp92:
0x30c: {  	_ = 	snop;
	(pc) =	sbr.rel @p0 .LBB2_134-.Ltmp92, $4  }
0x30d: {  	s14 =	sadd.s32 $0x80, s14  }
0x30e: {  	s16 =	sand.u32 $0x70, s15;
	s17 =	sand.u32 $0x1C00, s14  }
0x30f: {  	s16 =	sor.u32 s16, s17  }
0x310: {  	s15 =	sadd.s32 $0x10, s15;
	[tilespmem:s16+$0x9200] =	vst v3  }
.LBB2_135:
0x311: {  	(v2sf) =	vpush v4, $0xB;
	_ =	sdelay $0xe  }
0x312: {  	s14 =	spop (v2sf)  }
0x313: {  	p0 =	sne.s32 s14, $0x0  }
.Ltmp93:
0x314: {  	_ = 	snop;
	(pc) =	sbr.rel @p0 .LBB2_138-.Ltmp93, $1  }
0x315: {  	_ =	sdelay $0x3  }
0x316: {  	s14 =	simm.s32 $0x0  }
0x317: {  	s15 =	sand.u32 $0x70, s14;
	s16 =	sand.u32 $0x1C00, s14  }
0x318: {  	s16 =	sor.u32 s15, s16  }
0x319: {  	s15 =	simm.s32 $0x10;
	[tilespmem:s16+$0x9280] =	vst v3  }
.LBB2_137:
0x31a: {  	p0 =	sne.s32 s15, $0x2F0  }
.Ltmp94:
0x31b: {  	_ = 	snop;
	(pc) =	sbr.rel @p0 .LBB2_137-.Ltmp94, $4  }
0x31c: {  	s14 =	sadd.s32 $0x80, s14  }
0x31d: {  	s16 =	sand.u32 $0x70, s15;
	s17 =	sand.u32 $0x1C00, s14  }
0x31e: {  	s16 =	sor.u32 s16, s17  }
0x31f: {  	s15 =	sadd.s32 $0x10, s15;
	[tilespmem:s16+$0x9280] =	vst v3  }
.LBB2_138:
0x320: {  	(v2sf) =	vpush v4, $0xC;
	_ =	sdelay $0xe  }
0x321: {  	s14 =	spop (v2sf)  }
0x322: {  	p0 =	sne.s32 s14, $0x0  }
.Ltmp95:
0x323: {  	_ = 	snop;
	(pc) =	sbr.rel @p0 .LBB2_141-.Ltmp95, $1  }
0x324: {  	_ =	sdelay $0x3  }
0x325: {  	s14 =	simm.s32 $0x0  }
0x326: {  	s15 =	sand.u32 $0x70, s14;
	s16 =	sand.u32 $0x1C00, s14  }
0x327: {  	s16 =	sor.u32 s15, s16  }
0x328: {  	s15 =	simm.s32 $0x10;
	[tilespmem:s16+$0x9300] =	vst v3  }
.LBB2_140:
0x329: {  	p0 =	sne.s32 s15, $0x2F0  }
.Ltmp96:
0x32a: {  	_ = 	snop;
	(pc) =	sbr.rel @p0 .LBB2_140-.Ltmp96, $4  }
0x32b: {  	s14 =	sadd.s32 $0x80, s14  }
0x32c: {  	s16 =	sand.u32 $0x70, s15;
	s17 =	sand.u32 $0x1C00, s14  }
0x32d: {  	s16 =	sor.u32 s16, s17  }
0x32e: {  	s15 =	sadd.s32 $0x10, s15;
	[tilespmem:s16+$0x9300] =	vst v3  }
.LBB2_141:
0x32f: {  	(v2sf) =	vpush v4, $0xD;
	_ =	sdelay $0xe  }
0x330: {  	s14 =	spop (v2sf)  }
0x331: {  	p0 =	sne.s32 s14, $0x0  }
.Ltmp97:
0x332: {  	_ = 	snop;
	(pc) =	sbr.rel @p0 .LBB2_144-.Ltmp97, $1  }
0x333: {  	_ =	sdelay $0x3  }
0x334: {  	s14 =	simm.s32 $0x0  }
0x335: {  	s15 =	sand.u32 $0x70, s14;
	s16 =	sand.u32 $0x1C00, s14  }
0x336: {  	s16 =	sor.u32 s15, s16  }
0x337: {  	s15 =	simm.s32 $0x10;
	[tilespmem:s16+$0x9380] =	vst v3  }
.LBB2_143:
0x338: {  	p0 =	sne.s32 s15, $0x2F0  }
.Ltmp98:
0x339: {  	_ = 	snop;
	(pc) =	sbr.rel @p0 .LBB2_143-.Ltmp98, $4  }
0x33a: {  	s14 =	sadd.s32 $0x80, s14  }
0x33b: {  	s16 =	sand.u32 $0x70, s15;
	s17 =	sand.u32 $0x1C00, s14  }
0x33c: {  	s16 =	sor.u32 s16, s17  }
0x33d: {  	s15 =	sadd.s32 $0x10, s15;
	[tilespmem:s16+$0x9380] =	vst v3  }
.LBB2_144:
0x33e: {  	(v2sf) =	vpush v4, $0xE;
	_ =	sdelay $0xe  }
0x33f: {  	s14 =	spop (v2sf)  }
0x340: {  	p0 =	sne.s32 s14, $0x0  }
.Ltmp99:
0x341: {  	_ = 	snop;
	(pc) =	sbr.rel @p0 .LBB2_147-.Ltmp99, $1  }
0x342: {  	_ =	sdelay $0x3  }
0x343: {  	s14 =	simm.s32 $0x0  }
0x344: {  	s15 =	sand.u32 $0x70, s14;
	s16 =	sand.u32 $0x1C00, s14  }
0x345: {  	s16 =	sor.u32 s15, s16  }
0x346: {  	s15 =	simm.s32 $0x10;
	[tilespmem:s16+$0x9400] =	vst v3  }
.LBB2_146:
0x347: {  	p0 =	sne.s32 s15, $0x2F0  }
.Ltmp100:
0x348: {  	_ = 	snop;
	(pc) =	sbr.rel @p0 .LBB2_146-.Ltmp100, $4  }
0x349: {  	s14 =	sadd.s32 $0x80, s14  }
0x34a: {  	s16 =	sand.u32 $0x70, s15;
	s17 =	sand.u32 $0x1C00, s14  }
0x34b: {  	s16 =	sor.u32 s16, s17  }
0x34c: {  	s15 =	sadd.s32 $0x10, s15;
	[tilespmem:s16+$0x9400] =	vst v3  }
.LBB2_147:
0x34d: {  	(v2sf) =	vpush v4, $0xF;
	_ =	sdelay $0xe  }
0x34e: {  	s14 =	spop (v2sf)  }
0x34f: {  	p0 =	sne.s32 s14, $0x0  }
.Ltmp101:
0x350: {  	_ = 	snop;
	(pc) =	sbr.rel @p0 .LBB2_150-.Ltmp101, $1  }
0x351: {  	_ =	sdelay $0x3  }
0x352: {  	s14 =	simm.s32 $0x0  }
0x353: {  	s15 =	sand.u32 $0x70, s14;
	s16 =	sand.u32 $0x1C00, s14  }
0x354: {  	s16 =	sor.u32 s15, s16  }
0x355: {  	s15 =	simm.s32 $0x10;
	[tilespmem:s16+$0x9480] =	vst v3  }
.LBB2_149:
0x356: {  	p0 =	sne.s32 s15, $0x2F0  }
.Ltmp102:
0x357: {  	_ = 	snop;
	(pc) =	sbr.rel @p0 .LBB2_149-.Ltmp102, $4  }
0x358: {  	s14 =	sadd.s32 $0x80, s14  }
0x359: {  	s16 =	sand.u32 $0x70, s15;
	s17 =	sand.u32 $0x1C00, s14  }
0x35a: {  	s16 =	sor.u32 s16, s17  }
0x35b: {  	s15 =	sadd.s32 $0x10, s15;
	[tilespmem:s16+$0x9480] =	vst v3  }
.LBB2_150:
0x35c: {  	v4 =	vld [tilespmem:s13+$0x30];
	_ =	sdelay $0x4  }
0x35d: {  	vm1 =	veq.s32 v4, $0x0  }
0x35e: {  	v5 =	vmpcnt.ones.xlane vm1;
	_ =	sdelay $0x1  }
0x35f: {  	(v2sf) =	vpush v5, $0x0;
	_ =	sdelay $0xe  }
0x360: {  	s14 =	spop (v2sf)  }
0x361: {  	p0 =	slt.s32 s14, $0x1  }
.Ltmp103:
0x362: {  	_ = 	snop;
	(pc) =	sbr.rel @p0 .LBB2_199-.Ltmp103, $1  }
0x363: {  	_ =	sdelay $0x3  }
0x364: {  	(v2sf) =	vpush v4, $0x0;
	_ =	sdelay $0xe  }
0x365: {  	s14 =	spop (v2sf)  }
0x366: {  	p0 =	sne.s32 s14, $0x0  }
.Ltmp104:
0x367: {  	_ = 	snop;
	(pc) =	sbr.rel @p0 .LBB2_154-.Ltmp104, $1  }
0x368: {  	_ =	sdelay $0x3  }
0x369: {  	s14 =	simm.s32 $0x0  }
0x36a: {  	s15 =	sand.u32 $0x70, s14;
	s16 =	sand.u32 $0x1C00, s14  }
0x36b: {  	s16 =	sor.u32 s15, s16  }
0x36c: {  	s15 =	simm.s32 $0x10;
	[tilespmem:s16+$0xA900] =	vst v3  }
.LBB2_153:
0x36d: {  	p0 =	sne.s32 s15, $0x2F0  }
.Ltmp105:
0x36e: {  	_ = 	snop;
	(pc) =	sbr.rel @p0 .LBB2_153-.Ltmp105, $4  }
0x36f: {  	s14 =	sadd.s32 $0x80, s14  }
0x370: {  	s16 =	sand.u32 $0x70, s15;
	s17 =	sand.u32 $0x1C00, s14  }
0x371: {  	s16 =	sor.u32 s16, s17  }
0x372: {  	s15 =	sadd.s32 $0x10, s15;
	[tilespmem:s16+$0xA900] =	vst v3  }
.LBB2_154:
0x373: {  	(v2sf) =	vpush v4, $0x1;
	_ =	sdelay $0xe  }
0x374: {  	s14 =	spop (v2sf)  }
0x375: {  	p0 =	sne.s32 s14, $0x0  }
.Ltmp106:
0x376: {  	_ = 	snop;
	(pc) =	sbr.rel @p0 .LBB2_157-.Ltmp106, $1  }
0x377: {  	_ =	sdelay $0x3  }
0x378: {  	s14 =	simm.s32 $0x0  }
0x379: {  	s15 =	sand.u32 $0x70, s14;
	s16 =	sand.u32 $0x1C00, s14  }
0x37a: {  	s16 =	sor.u32 s15, s16  }
0x37b: {  	s15 =	simm.s32 $0x10;
	[tilespmem:s16+$0xA980] =	vst v3  }
.LBB2_156:
0x37c: {  	p0 =	sne.s32 s15, $0x2F0  }
.Ltmp107:
0x37d: {  	_ = 	snop;
	(pc) =	sbr.rel @p0 .LBB2_156-.Ltmp107, $4  }
0x37e: {  	s14 =	sadd.s32 $0x80, s14  }
0x37f: {  	s16 =	sand.u32 $0x70, s15;
	s17 =	sand.u32 $0x1C00, s14  }
0x380: {  	s16 =	sor.u32 s16, s17  }
0x381: {  	s15 =	sadd.s32 $0x10, s15;
	[tilespmem:s16+$0xA980] =	vst v3  }
.LBB2_157:
0x382: {  	(v2sf) =	vpush v4, $0x2;
	_ =	sdelay $0xe  }
0x383: {  	s14 =	spop (v2sf)  }
0x384: {  	p0 =	sne.s32 s14, $0x0  }
.Ltmp108:
0x385: {  	_ = 	snop;
	(pc) =	sbr.rel @p0 .LBB2_160-.Ltmp108, $1  }
0x386: {  	_ =	sdelay $0x3  }
0x387: {  	s14 =	simm.s32 $0x0  }
0x388: {  	s15 =	sand.u32 $0x70, s14;
	s16 =	sand.u32 $0x1C00, s14  }
0x389: {  	s16 =	sor.u32 s15, s16  }
0x38a: {  	s15 =	simm.s32 $0x10;
	[tilespmem:s16+$0xAA00] =	vst v3  }
.LBB2_159:
0x38b: {  	p0 =	sne.s32 s15, $0x2F0  }
.Ltmp109:
0x38c: {  	_ = 	snop;
	(pc) =	sbr.rel @p0 .LBB2_159-.Ltmp109, $4  }
0x38d: {  	s14 =	sadd.s32 $0x80, s14  }
0x38e: {  	s16 =	sand.u32 $0x70, s15;
	s17 =	sand.u32 $0x1C00, s14  }
0x38f: {  	s16 =	sor.u32 s16, s17  }
0x390: {  	s15 =	sadd.s32 $0x10, s15;
	[tilespmem:s16+$0xAA00] =	vst v3  }
.LBB2_160:
0x391: {  	(v2sf) =	vpush v4, $0x3;
	_ =	sdelay $0xe  }
0x392: {  	s14 =	spop (v2sf)  }
0x393: {  	p0 =	sne.s32 s14, $0x0  }
.Ltmp110:
0x394: {  	_ = 	snop;
	(pc) =	sbr.rel @p0 .LBB2_163-.Ltmp110, $1  }
0x395: {  	_ =	sdelay $0x3  }
0x396: {  	s14 =	simm.s32 $0x0  }
0x397: {  	s15 =	sand.u32 $0x70, s14;
	s16 =	sand.u32 $0x1C00, s14  }
0x398: {  	s16 =	sor.u32 s15, s16  }
0x399: {  	s15 =	simm.s32 $0x10;
	[tilespmem:s16+$0xAA80] =	vst v3  }
.LBB2_162:
0x39a: {  	p0 =	sne.s32 s15, $0x2F0  }
.Ltmp111:
0x39b: {  	_ = 	snop;
	(pc) =	sbr.rel @p0 .LBB2_162-.Ltmp111, $4  }
0x39c: {  	s14 =	sadd.s32 $0x80, s14  }
0x39d: {  	s16 =	sand.u32 $0x70, s15;
	s17 =	sand.u32 $0x1C00, s14  }
0x39e: {  	s16 =	sor.u32 s16, s17  }
0x39f: {  	s15 =	sadd.s32 $0x10, s15;
	[tilespmem:s16+$0xAA80] =	vst v3  }
.LBB2_163:
0x3a0: {  	(v2sf) =	vpush v4, $0x4;
	_ =	sdelay $0xe  }
0x3a1: {  	s14 =	spop (v2sf)  }
0x3a2: {  	p0 =	sne.s32 s14, $0x0  }
.Ltmp112:
0x3a3: {  	_ = 	snop;
	(pc) =	sbr.rel @p0 .LBB2_166-.Ltmp112, $1  }
0x3a4: {  	_ =	sdelay $0x3  }
0x3a5: {  	s14 =	simm.s32 $0x0  }
0x3a6: {  	s15 =	sand.u32 $0x70, s14;
	s16 =	sand.u32 $0x1C00, s14  }
0x3a7: {  	s16 =	sor.u32 s15, s16  }
0x3a8: {  	s15 =	simm.s32 $0x10;
	[tilespmem:s16+$0xAB00] =	vst v3  }
.LBB2_165:
0x3a9: {  	p0 =	sne.s32 s15, $0x2F0  }
.Ltmp113:
0x3aa: {  	_ = 	snop;
	(pc) =	sbr.rel @p0 .LBB2_165-.Ltmp113, $4  }
0x3ab: {  	s14 =	sadd.s32 $0x80, s14  }
0x3ac: {  	s16 =	sand.u32 $0x70, s15;
	s17 =	sand.u32 $0x1C00, s14  }
0x3ad: {  	s16 =	sor.u32 s16, s17  }
0x3ae: {  	s15 =	sadd.s32 $0x10, s15;
	[tilespmem:s16+$0xAB00] =	vst v3  }
.LBB2_166:
0x3af: {  	(v2sf) =	vpush v4, $0x5;
	_ =	sdelay $0xe  }
0x3b0: {  	s14 =	spop (v2sf)  }
0x3b1: {  	p0 =	sne.s32 s14, $0x0  }
.Ltmp114:
0x3b2: {  	_ = 	snop;
	(pc) =	sbr.rel @p0 .LBB2_169-.Ltmp114, $1  }
0x3b3: {  	_ =	sdelay $0x3  }
0x3b4: {  	s14 =	simm.s32 $0x0  }
0x3b5: {  	s15 =	sand.u32 $0x70, s14;
	s16 =	sand.u32 $0x1C00, s14  }
0x3b6: {  	s16 =	sor.u32 s15, s16  }
0x3b7: {  	s15 =	simm.s32 $0x10;
	[tilespmem:s16+$0xAB80] =	vst v3  }
.LBB2_168:
0x3b8: {  	p0 =	sne.s32 s15, $0x2F0  }
.Ltmp115:
0x3b9: {  	_ = 	snop;
	(pc) =	sbr.rel @p0 .LBB2_168-.Ltmp115, $4  }
0x3ba: {  	s14 =	sadd.s32 $0x80, s14  }
0x3bb: {  	s16 =	sand.u32 $0x70, s15;
	s17 =	sand.u32 $0x1C00, s14  }
0x3bc: {  	s16 =	sor.u32 s16, s17  }
0x3bd: {  	s15 =	sadd.s32 $0x10, s15;
	[tilespmem:s16+$0xAB80] =	vst v3  }
.LBB2_169:
0x3be: {  	(v2sf) =	vpush v4, $0x6;
	_ =	sdelay $0xe  }
0x3bf: {  	s14 =	spop (v2sf)  }
0x3c0: {  	p0 =	sne.s32 s14, $0x0  }
.Ltmp116:
0x3c1: {  	_ = 	snop;
	(pc) =	sbr.rel @p0 .LBB2_172-.Ltmp116, $1  }
0x3c2: {  	_ =	sdelay $0x3  }
0x3c3: {  	s14 =	simm.s32 $0x0  }
0x3c4: {  	s15 =	sand.u32 $0x70, s14;
	s16 =	sand.u32 $0x1C00, s14  }
0x3c5: {  	s16 =	sor.u32 s15, s16  }
0x3c6: {  	s15 =	simm.s32 $0x10;
	[tilespmem:s16+$0xAC00] =	vst v3  }
.LBB2_171:
0x3c7: {  	p0 =	sne.s32 s15, $0x2F0  }
.Ltmp117:
0x3c8: {  	_ = 	snop;
	(pc) =	sbr.rel @p0 .LBB2_171-.Ltmp117, $4  }
0x3c9: {  	s14 =	sadd.s32 $0x80, s14  }
0x3ca: {  	s16 =	sand.u32 $0x70, s15;
	s17 =	sand.u32 $0x1C00, s14  }
0x3cb: {  	s16 =	sor.u32 s16, s17  }
0x3cc: {  	s15 =	sadd.s32 $0x10, s15;
	[tilespmem:s16+$0xAC00] =	vst v3  }
.LBB2_172:
0x3cd: {  	(v2sf) =	vpush v4, $0x7;
	_ =	sdelay $0xe  }
0x3ce: {  	s14 =	spop (v2sf)  }
0x3cf: {  	p0 =	sne.s32 s14, $0x0  }
.Ltmp118:
0x3d0: {  	_ = 	snop;
	(pc) =	sbr.rel @p0 .LBB2_175-.Ltmp118, $1  }
0x3d1: {  	_ =	sdelay $0x3  }
0x3d2: {  	s14 =	simm.s32 $0x0  }
0x3d3: {  	s15 =	sand.u32 $0x70, s14;
	s16 =	sand.u32 $0x1C00, s14  }
0x3d4: {  	s16 =	sor.u32 s15, s16  }
0x3d5: {  	s15 =	simm.s32 $0x10;
	[tilespmem:s16+$0xAC80] =	vst v3  }
.LBB2_174:
0x3d6: {  	p0 =	sne.s32 s15, $0x2F0  }
.Ltmp119:
0x3d7: {  	_ = 	snop;
	(pc) =	sbr.rel @p0 .LBB2_174-.Ltmp119, $4  }
0x3d8: {  	s14 =	sadd.s32 $0x80, s14  }
0x3d9: {  	s16 =	sand.u32 $0x70, s15;
	s17 =	sand.u32 $0x1C00, s14  }
0x3da: {  	s16 =	sor.u32 s16, s17  }
0x3db: {  	s15 =	sadd.s32 $0x10, s15;
	[tilespmem:s16+$0xAC80] =	vst v3  }
.LBB2_175:
0x3dc: {  	(v2sf) =	vpush v4, $0x8;
	_ =	sdelay $0xe  }
0x3dd: {  	s14 =	spop (v2sf)  }
0x3de: {  	p0 =	sne.s32 s14, $0x0  }
.Ltmp120:
0x3df: {  	_ = 	snop;
	(pc) =	sbr.rel @p0 .LBB2_178-.Ltmp120, $1  }
0x3e0: {  	_ =	sdelay $0x3  }
0x3e1: {  	s14 =	simm.s32 $0x0  }
0x3e2: {  	s15 =	sand.u32 $0x70, s14;
	s16 =	sand.u32 $0x1C00, s14  }
0x3e3: {  	s16 =	sor.u32 s15, s16  }
0x3e4: {  	s15 =	simm.s32 $0x10;
	[tilespmem:s16+$0xC100] =	vst v3  }
.LBB2_177:
0x3e5: {  	p0 =	sne.s32 s15, $0x2F0  }
.Ltmp121:
0x3e6: {  	_ = 	snop;
	(pc) =	sbr.rel @p0 .LBB2_177-.Ltmp121, $4  }
0x3e7: {  	s14 =	sadd.s32 $0x80, s14  }
0x3e8: {  	s16 =	sand.u32 $0x70, s15;
	s17 =	sand.u32 $0x1C00, s14  }
0x3e9: {  	s16 =	sor.u32 s16, s17  }
0x3ea: {  	s15 =	sadd.s32 $0x10, s15;
	[tilespmem:s16+$0xC100] =	vst v3  }
.LBB2_178:
0x3eb: {  	(v2sf) =	vpush v4, $0x9;
	_ =	sdelay $0xe  }
0x3ec: {  	s14 =	spop (v2sf)  }
0x3ed: {  	p0 =	sne.s32 s14, $0x0  }
.Ltmp122:
0x3ee: {  	_ = 	snop;
	(pc) =	sbr.rel @p0 .LBB2_181-.Ltmp122, $1  }
0x3ef: {  	_ =	sdelay $0x3  }
0x3f0: {  	s14 =	simm.s32 $0x0  }
0x3f1: {  	s15 =	sand.u32 $0x70, s14;
	s16 =	sand.u32 $0x1C00, s14  }
0x3f2: {  	s16 =	sor.u32 s15, s16  }
0x3f3: {  	s15 =	simm.s32 $0x10;
	[tilespmem:s16+$0xC180] =	vst v3  }
.LBB2_180:
0x3f4: {  	p0 =	sne.s32 s15, $0x2F0  }
.Ltmp123:
0x3f5: {  	_ = 	snop;
	(pc) =	sbr.rel @p0 .LBB2_180-.Ltmp123, $4  }
0x3f6: {  	s14 =	sadd.s32 $0x80, s14  }
0x3f7: {  	s16 =	sand.u32 $0x70, s15;
	s17 =	sand.u32 $0x1C00, s14  }
0x3f8: {  	s16 =	sor.u32 s16, s17  }
0x3f9: {  	s15 =	sadd.s32 $0x10, s15;
	[tilespmem:s16+$0xC180] =	vst v3  }
.LBB2_181:
0x3fa: {  	(v2sf) =	vpush v4, $0xA;
	_ =	sdelay $0xe  }
0x3fb: {  	s14 =	spop (v2sf)  }
0x3fc: {  	p0 =	sne.s32 s14, $0x0  }
.Ltmp124:
0x3fd: {  	_ = 	snop;
	(pc) =	sbr.rel @p0 .LBB2_184-.Ltmp124, $1  }
0x3fe: {  	_ =	sdelay $0x3  }
0x3ff: {  	s14 =	simm.s32 $0x0  }
0x400: {  	s15 =	sand.u32 $0x70, s14;
	s16 =	sand.u32 $0x1C00, s14  }
0x401: {  	s16 =	sor.u32 s15, s16  }
0x402: {  	s15 =	simm.s32 $0x10;
	[tilespmem:s16+$0xC200] =	vst v3  }
.LBB2_183:
0x403: {  	p0 =	sne.s32 s15, $0x2F0  }
.Ltmp125:
0x404: {  	_ = 	snop;
	(pc) =	sbr.rel @p0 .LBB2_183-.Ltmp125, $4  }
0x405: {  	s14 =	sadd.s32 $0x80, s14  }
0x406: {  	s16 =	sand.u32 $0x70, s15;
	s17 =	sand.u32 $0x1C00, s14  }
0x407: {  	s16 =	sor.u32 s16, s17  }
0x408: {  	s15 =	sadd.s32 $0x10, s15;
	[tilespmem:s16+$0xC200] =	vst v3  }
.LBB2_184:
0x409: {  	(v2sf) =	vpush v4, $0xB;
	_ =	sdelay $0xe  }
0x40a: {  	s14 =	spop (v2sf)  }
0x40b: {  	p0 =	sne.s32 s14, $0x0  }
.Ltmp126:
0x40c: {  	_ = 	snop;
	(pc) =	sbr.rel @p0 .LBB2_187-.Ltmp126, $1  }
0x40d: {  	_ =	sdelay $0x3  }
0x40e: {  	s14 =	simm.s32 $0x0  }
0x40f: {  	s15 =	sand.u32 $0x70, s14;
	s16 =	sand.u32 $0x1C00, s14  }
0x410: {  	s16 =	sor.u32 s15, s16  }
0x411: {  	s15 =	simm.s32 $0x10;
	[tilespmem:s16+$0xC280] =	vst v3  }
.LBB2_186:
0x412: {  	p0 =	sne.s32 s15, $0x2F0  }
.Ltmp127:
0x413: {  	_ = 	snop;
	(pc) =	sbr.rel @p0 .LBB2_186-.Ltmp127, $4  }
0x414: {  	s14 =	sadd.s32 $0x80, s14  }
0x415: {  	s16 =	sand.u32 $0x70, s15;
	s17 =	sand.u32 $0x1C00, s14  }
0x416: {  	s16 =	sor.u32 s16, s17  }
0x417: {  	s15 =	sadd.s32 $0x10, s15;
	[tilespmem:s16+$0xC280] =	vst v3  }
.LBB2_187:
0x418: {  	(v2sf) =	vpush v4, $0xC;
	_ =	sdelay $0xe  }
0x419: {  	s14 =	spop (v2sf)  }
0x41a: {  	p0 =	sne.s32 s14, $0x0  }
.Ltmp128:
0x41b: {  	_ = 	snop;
	(pc) =	sbr.rel @p0 .LBB2_190-.Ltmp128, $1  }
0x41c: {  	_ =	sdelay $0x3  }
0x41d: {  	s14 =	simm.s32 $0x0  }
0x41e: {  	s15 =	sand.u32 $0x70, s14;
	s16 =	sand.u32 $0x1C00, s14  }
0x41f: {  	s16 =	sor.u32 s15, s16  }
0x420: {  	s15 =	simm.s32 $0x10;
	[tilespmem:s16+$0xC300] =	vst v3  }
.LBB2_189:
0x421: {  	p0 =	sne.s32 s15, $0x2F0  }
.Ltmp129:
0x422: {  	_ = 	snop;
	(pc) =	sbr.rel @p0 .LBB2_189-.Ltmp129, $4  }
0x423: {  	s14 =	sadd.s32 $0x80, s14  }
0x424: {  	s16 =	sand.u32 $0x70, s15;
	s17 =	sand.u32 $0x1C00, s14  }
0x425: {  	s16 =	sor.u32 s16, s17  }
0x426: {  	s15 =	sadd.s32 $0x10, s15;
	[tilespmem:s16+$0xC300] =	vst v3  }
.LBB2_190:
0x427: {  	(v2sf) =	vpush v4, $0xD;
	_ =	sdelay $0xe  }
0x428: {  	s14 =	spop (v2sf)  }
0x429: {  	p0 =	sne.s32 s14, $0x0  }
.Ltmp130:
0x42a: {  	_ = 	snop;
	(pc) =	sbr.rel @p0 .LBB2_193-.Ltmp130, $1  }
0x42b: {  	_ =	sdelay $0x3  }
0x42c: {  	s14 =	simm.s32 $0x0  }
0x42d: {  	s15 =	sand.u32 $0x70, s14;
	s16 =	sand.u32 $0x1C00, s14  }
0x42e: {  	s16 =	sor.u32 s15, s16  }
0x42f: {  	s15 =	simm.s32 $0x10;
	[tilespmem:s16+$0xC380] =	vst v3  }
.LBB2_192:
0x430: {  	p0 =	sne.s32 s15, $0x2F0  }
.Ltmp131:
0x431: {  	_ = 	snop;
	(pc) =	sbr.rel @p0 .LBB2_192-.Ltmp131, $4  }
0x432: {  	s14 =	sadd.s32 $0x80, s14  }
0x433: {  	s16 =	sand.u32 $0x70, s15;
	s17 =	sand.u32 $0x1C00, s14  }
0x434: {  	s16 =	sor.u32 s16, s17  }
0x435: {  	s15 =	sadd.s32 $0x10, s15;
	[tilespmem:s16+$0xC380] =	vst v3  }
.LBB2_193:
0x436: {  	(v2sf) =	vpush v4, $0xE;
	_ =	sdelay $0xe  }
0x437: {  	s14 =	spop (v2sf)  }
0x438: {  	p0 =	sne.s32 s14, $0x0  }
.Ltmp132:
0x439: {  	_ = 	snop;
	(pc) =	sbr.rel @p0 .LBB2_196-.Ltmp132, $1  }
0x43a: {  	_ =	sdelay $0x3  }
0x43b: {  	s14 =	simm.s32 $0x0  }
0x43c: {  	s15 =	sand.u32 $0x70, s14;
	s16 =	sand.u32 $0x1C00, s14  }
0x43d: {  	s16 =	sor.u32 s15, s16  }
0x43e: {  	s15 =	simm.s32 $0x10;
	[tilespmem:s16+$0xC400] =	vst v3  }
.LBB2_195:
0x43f: {  	p0 =	sne.s32 s15, $0x2F0  }
.Ltmp133:
0x440: {  	_ = 	snop;
	(pc) =	sbr.rel @p0 .LBB2_195-.Ltmp133, $4  }
0x441: {  	s14 =	sadd.s32 $0x80, s14  }
0x442: {  	s16 =	sand.u32 $0x70, s15;
	s17 =	sand.u32 $0x1C00, s14  }
0x443: {  	s16 =	sor.u32 s16, s17  }
0x444: {  	s15 =	sadd.s32 $0x10, s15;
	[tilespmem:s16+$0xC400] =	vst v3  }
.LBB2_196:
0x445: {  	(v2sf) =	vpush v4, $0xF;
	_ =	sdelay $0xe  }
0x446: {  	s14 =	spop (v2sf)  }
0x447: {  	p0 =	sne.s32 s14, $0x0  }
.Ltmp134:
0x448: {  	_ = 	snop;
	(pc) =	sbr.rel @p0 .LBB2_199-.Ltmp134, $1  }
0x449: {  	_ =	sdelay $0x3  }
0x44a: {  	s14 =	simm.s32 $0x0  }
0x44b: {  	s15 =	sand.u32 $0x70, s14;
	s16 =	sand.u32 $0x1C00, s14  }
0x44c: {  	s16 =	sor.u32 s15, s16  }
0x44d: {  	s15 =	simm.s32 $0x10;
	[tilespmem:s16+$0xC480] =	vst v3  }
.LBB2_198:
0x44e: {  	p0 =	sne.s32 s15, $0x2F0  }
.Ltmp135:
0x44f: {  	_ = 	snop;
	(pc) =	sbr.rel @p0 .LBB2_198-.Ltmp135, $4  }
0x450: {  	s14 =	sadd.s32 $0x80, s14  }
0x451: {  	s16 =	sand.u32 $0x70, s15;
	s17 =	sand.u32 $0x1C00, s14  }
0x452: {  	s16 =	sor.u32 s16, s17  }
0x453: {  	s15 =	sadd.s32 $0x10, s15;
	[tilespmem:s16+$0xC480] =	vst v3  }
.Ltmp136:
0x454: {  	_ = 	snop;
	(pc) =	sbr.rel .LBB2_199-.Ltmp136, $1  }
0x455: {  	_ =	sdelay $0x3  }
.LBB2_201:
0x456: {  	_ =	sfence.sel $0x180000  }
0x457: {  	[bflag:$0x0] =	sbarrier.arrive $0xFFFF  }
0x458: {  	_ =	strace $0x90000047  }
0x459: {  	s0 =	stileid.u32;
	[bflag:$0x2] =	sbarrier.arrive $0xFFFF  }
0x45a: {  	p0 =	sne.s32 s0, $0x0;
	s0 =	rddreg [dreg:$0x3]  }
0x45b: {  	s0 =	sadd.s32 @!p0 $0x100000, s0  }
0x45c: {  	[sflag:s0] =	ssyncadd.tile.s32 @!p0 $0x1;
	_ =	shalt  }
.Lfunc_end2:
_tile_overlayer_lowered:
.L_overlay_start_2:
0x45d: {  	(tag) =	ssettag $0x2  }
0x45e: {  	s0 =	rddreg [dreg:$0x0];
	s2 =	stileid.u32  }
0x45f: {  	s1 =	rddreg [dreg:$0x1];
	p0 =	sne.s32 s2, $0x0  }
0x460: {  	s3 =	rddreg [dreg:$0x2];
	[bflag:$0x3] =	sbarrier.arrive $0xFFFF;
	s2 =	simm.s32 @!p0 $0x1C02  }
0x461: {  	[timem:s3], [sflag:s2] =	dma.local @!p0 [hbm:s0], s1  }
0x462: {  	s0 =	simm.s32 @!p0 $0x2  }
0x463: {  	_ =	swait.ge @!p0 [sflag:s0], s1  }
0x464: {  	s1 =	ssub.s32 @!p0 $0x0, s1;
	[sflag:s0] =	ssyncset.done @!p0 $0x0  }
0x465: {  	[sflag:s0] =	ssyncadd.s32 @!p0 s1  }
0x466: {  	[bflag:$0x3] =	sbarrier.arrive $0xFFFF  }
0x467: {  	_ =	shalt  }

</sc_bundles>
